<compile_context>
chip_gen: v7x
topology: tpu7x:2x2x1
jax: 0.10.2.dev20260603
libtpu: 0.0.44.dev20260713+nightly
codegen_flags: <defaults>
</compile_context>

<pallas_src>
import functools

import jax
import jax.numpy as jnp
from jax import lax
from jax.experimental import pallas as pl
from jax.experimental.pallas import tpu as pltpu
from jax.experimental.pallas import tpu_sc as plsc

_NUM_CORES = 2
_NUM_SUBCORES = 16
_NW = _NUM_CORES * _NUM_SUBCORES
_CHUNK = 128


def _sc_gather_user(uidx, userEmbPad):
    _, nch, _ = uidx.shape
    B = _NW * nch * _CHUNK
    EMB4 = userEmbPad.shape[1]
    bpw = B // _NW

    mesh = plsc.VectorSubcoreMesh(core_axis_name="c", subcore_axis_name="s")

    @functools.partial(
        pl.kernel,
        mesh=mesh,
        compiler_params=pltpu.CompilerParams(use_tc_tiling_on_sc=True),
        out_type=jax.ShapeDtypeStruct((B, EMB4), jnp.float32),
        scratch_types=[
            pltpu.VMEM((nch, _CHUNK), jnp.int32),
            pltpu.VMEM((2, _CHUNK, 128), jnp.float32),
            pltpu.SemaphoreType.DMA,
            pltpu.SemaphoreType.DMA,
        ],
    )
    def k(uemb_hbm, uidx_hbm, ou, uidx_v, urows2, sem_g, sem_o):
        wid = lax.axis_index("s") * _NUM_CORES + lax.axis_index("c")
        base = wid * bpw
        pltpu.sync_copy(uidx_hbm.at[wid], uidx_v)
        out_pend = [None, None]
        for j in range(nch):
            b = j & 1
            if out_pend[b] is not None:
                out_pend[b].wait()
            pltpu.async_copy(uemb_hbm.at[uidx_v.at[j]], urows2.at[b], sem_g).wait()
            osl = pl.ds(base + j * _CHUNK, _CHUNK)
            out_pend[b] = pltpu.async_copy(urows2.at[b], ou.at[osl], sem_o)
        for pend in out_pend:
            if pend is not None:
                pend.wait()

    return k(userEmbPad, uidx)


def _sc_gather_movie_bias(uidx, midx, movieEmb, ubflat, mbflat):
    _, nch, _ = uidx.shape
    B = _NW * nch * _CHUNK
    EMB = movieEmb.shape[1]
    bpw = B // _NW

    mesh = plsc.VectorSubcoreMesh(core_axis_name="c", subcore_axis_name="s")

    @functools.partial(
        pl.kernel,
        mesh=mesh,
        compiler_params=pltpu.CompilerParams(use_tc_tiling_on_sc=False),
        out_type=(
            jax.ShapeDtypeStruct((B, EMB), jnp.float32),
            jax.ShapeDtypeStruct((B,), jnp.float32),
            jax.ShapeDtypeStruct((B,), jnp.float32),
        ),
        scratch_types=[
            pltpu.VMEM((nch, _CHUNK), jnp.int32),
            pltpu.VMEM((nch, _CHUNK), jnp.int32),
            pltpu.VMEM((bpw, EMB), jnp.float32),
            pltpu.VMEM((bpw,), jnp.float32),
            pltpu.VMEM((bpw,), jnp.float32),
            pltpu.SemaphoreType.DMA,
        ],
    )
    def k(memb_hbm, ub_hbm, mb_hbm, uidx_hbm, midx_hbm,
          om, oub, omb, uidx_v, midx_v, mrows, ub_v, mb_v, sem):
        wid = lax.axis_index("s") * _NUM_CORES + lax.axis_index("c")
        base = wid * bpw
        pltpu.sync_copy(uidx_hbm.at[wid], uidx_v)
        pltpu.sync_copy(midx_hbm.at[wid], midx_v)
        copies = []
        for j in range(nch):
            sl = pl.ds(j * _CHUNK, _CHUNK)
            copies.append(pltpu.async_copy(memb_hbm.at[midx_v.at[j]], mrows.at[sl], sem))
            copies.append(pltpu.async_copy(ub_hbm.at[uidx_v.at[j]], ub_v.at[sl], sem))
            copies.append(pltpu.async_copy(mb_hbm.at[midx_v.at[j]], mb_v.at[sl], sem))
        for c in copies:
            c.wait()
        osl = pl.ds(base, bpw)
        pltpu.sync_copy(mrows, om.at[osl])
        pltpu.sync_copy(ub_v, oub.at[osl])
        pltpu.sync_copy(mb_v, omb.at[osl])

    return k(movieEmb, ubflat, mbflat, uidx, midx)


def _extract32(rows, selcol):
    out = jnp.where(selcol == 0, rows[:, 0:32], 0.0)
    out = out + jnp.where(selcol == 1, rows[:, 32:64], 0.0)
    out = out + jnp.where(selcol == 2, rows[:, 64:96], 0.0)
    out = out + jnp.where(selcol == 3, rows[:, 96:128], 0.0)
    return out


def _tc_body(const_ref, u_ref, m_ref, goh_ref, ub_ref, mb_ref,
             gwt_ref, gb_ref, w1u_ref, w1m_ref, w1g_ref, b1_ref, w2_ref,
             o_ref):
    u = u_ref[...][:, :32]
    m = m_ref[...]
    g = jnp.dot(goh_ref[...], gwt_ref[...], preferred_element_type=jnp.float32)
    g = jnp.maximum(g + gb_ref[...], 0.0)
    h = jnp.dot(u, w1u_ref[...], preferred_element_type=jnp.float32)
    h = h + jnp.dot(m, w1m_ref[...], preferred_element_type=jnp.float32)
    h = h + jnp.dot(g, w1g_ref[...], preferred_element_type=jnp.float32)
    h = jnp.maximum(h + b1_ref[...], 0.0)
    mlp = jnp.sum(h * w2_ref[...], axis=1)
    dot = jnp.sum(u * m, axis=1)
    o_ref[...] = dot + mlp + ub_ref[...] + mb_ref[...] + const_ref[0]


def _tc_dense(urows, m, genreOH, ub, mb,
              gW, gb, w1, b1, w2, const):
    B = urows.shape[0]
    NG = genreOH.shape[1]
    GE = gW.shape[0]
    HL = w1.shape[0]
    EMB = (w1.shape[1] - GE) // 2
    BLK = 2048
    grid = (B // BLK,)

    gWt = gW.T
    w1t = w1.T
    w1u = w1t[:EMB]
    w1m = w1t[EMB:2 * EMB]
    w1g = w1t[2 * EMB:]
    w2row = w2[0]

    full = lambda shape: pl.BlockSpec(shape, lambda i: (0,) * len(shape))
    return pl.pallas_call(
        _tc_body,
        grid=grid,
        in_specs=[
            pl.BlockSpec(memory_space=pltpu.SMEM),
            pl.BlockSpec((BLK, 128), lambda i: (i, 0)),
            pl.BlockSpec((BLK, EMB), lambda i: (i, 0)),
            pl.BlockSpec((BLK, NG), lambda i: (i, 0)),
            pl.BlockSpec((BLK,), lambda i: (i,)),
            pl.BlockSpec((BLK,), lambda i: (i,)),
            full((NG, GE)),
            full((GE,)),
            full((EMB, HL)),
            full((EMB, HL)),
            full((GE, HL)),
            full((HL,)),
            full((HL,)),
        ],
        out_specs=pl.BlockSpec((BLK,), lambda i: (i,)),
        out_shape=jax.ShapeDtypeStruct((B,), jnp.float32),
    )(const, urows, m, genreOH, ub, mb,
      gWt, gb, w1u, w1m, w1g, b1, w2row)


def kernel(userOH, moveOH, genreOH, userEmb, movieEmb, userBiasT, movieBiasT,
           bias, gW, gb, w1, b1, w2, b2):
    B = userOH.shape[0]
    nch = B // (_NW * _CHUNK)
    uoh = userOH.astype(jnp.int32)
    moh = moveOH.astype(jnp.int32)
    uidx = uoh.reshape(_NW, nch, _CHUNK)
    midx = moh.reshape(_NW, nch, _CHUNK)
    ubflat = userBiasT.reshape(-1)
    mbflat = movieBiasT.reshape(-1)

    userEmbPad = jnp.pad(userEmb, ((0, 0), (0, 96)))
    urows = _sc_gather_user(uidx, userEmbPad)
    m, ub, mb = _sc_gather_movie_bias(uidx, midx, movieEmb, ubflat, mbflat)
    const = (bias + b2).reshape(1)
    return _tc_dense(urows, m, genreOH, ub, mb,
                     gW, gb, w1, b1, w2, const)

# --- scband reference (transcript-rebuilt; emitter-appended) ---
"""Pipeline reference for scband-movie-rec-model-81595788689856 (READ-ONLY COPY).

The authoritative reference and input builder live on the scoring server;
editing this copy changes nothing except your own understanding.
"""

import jax, jax.numpy as jnp
import numpy as np

NUM_USERS = 1000000
NUM_MOVIES = 100000
NUM_GENRES = 26
HL = 64
EMB = 32
GEMB = 8
BATCH = 16384


def setup_inputs(seed: int = 0) -> dict:
    key = jax.random.key(seed)
    ks = jax.random.split(key, 12)
    userOH = jax.random.randint(ks[0], (BATCH,), 0, NUM_USERS, dtype=jnp.int64 if jax.config.jax_enable_x64 else jnp.int32)
    moveOH = jax.random.randint(ks[1], (BATCH,), 0, NUM_MOVIES, dtype=jnp.int64 if jax.config.jax_enable_x64 else jnp.int32)
    genreOH = jax.random.uniform(ks[2], (BATCH, NUM_GENRES), dtype=jnp.float32)
    userEmb = jax.random.normal(ks[3], (NUM_USERS, EMB), dtype=jnp.float32) * 0.02
    movieEmb = jax.random.normal(ks[4], (NUM_MOVIES, EMB), dtype=jnp.float32) * 0.02
    userBiasT = jax.random.normal(ks[5], (NUM_USERS, 1), dtype=jnp.float32) * 0.02
    movieBiasT = jax.random.normal(ks[6], (NUM_MOVIES, 1), dtype=jnp.float32) * 0.02
    bias = jnp.zeros((1,), dtype=jnp.float32)
    gW = jax.random.normal(ks[7], (GEMB, NUM_GENRES), dtype=jnp.float32) * 0.1
    gb = jnp.zeros((GEMB,), dtype=jnp.float32)
    w1 = jax.random.normal(ks[8], (HL, EMB * 2 + GEMB), dtype=jnp.float32) * 0.05
    b1 = jnp.zeros((HL,), dtype=jnp.float32)
    w2 = jax.random.normal(ks[9], (1, HL), dtype=jnp.float32) * 0.05
    b2 = jnp.zeros((1,), dtype=jnp.float32)
    return {"userOH": userOH, "moveOH": moveOH, "genreOH": genreOH,
            "userEmb": userEmb, "movieEmb": movieEmb,
            "userBiasT": userBiasT, "movieBiasT": movieBiasT, "bias": bias,
            "gW": gW, "gb": gb, "w1": w1, "b1": b1, "w2": w2, "b2": b2}


def reference(userOH, moveOH, genreOH, userEmb, movieEmb, userBiasT, movieBiasT, bias, gW, gb, w1, b1, w2, b2):
    userEmbeds = jnp.take(userEmb, userOH, axis=0)
    movieEmbeds = jnp.take(movieEmb, moveOH, axis=0)
    genreEmbeds = jax.nn.relu(genreOH @ gW.T + gb)
    userBias = jnp.take(userBiasT, userOH, axis=0)[:, 0]
    movieBias = jnp.take(movieBiasT, moveOH, axis=0)[:, 0]
    dotProduct = (userEmbeds * movieEmbeds).sum(axis=1)
    x = jnp.concatenate([userEmbeds, movieEmbeds, genreEmbeds], axis=1)
    x = jax.nn.relu(x @ w1.T + b1)
    mlp = (x @ w2.T + b2)[:, 0]
    return dotProduct + mlp + userBias + movieBias + bias[0]

if __name__ == "__main__":
    import jax
    _d = setup_inputs()
    print(jax.jit(kernel)(*tuple(_d.values())))

</pallas_src>

<mosaic_0001>
#map = affine_map<(d0, d1) -> (0, 0)>
#map1 = affine_map<(d0, d1) -> (0, 0, 0)>
module attributes {stable_mosaic.version = 14 : i64} {
  func.func @k(%arg0: i32, %arg1: i32, %arg2: memref<1000000x128xf32, #tpu.memory_space<hbm>>, %arg3: memref<32x4x128xi32, #tpu.memory_space<hbm>>, %arg4: memref<16384x128xf32, #tpu.memory_space<hbm>>, %arg5: memref<4x128xi32, #tpu.memory_space<vmem>>, %arg6: memref<2x128x128xf32, #tpu.memory_space<vmem>>, %arg7: memref<!tpu.dma_semaphore, #tpu.memory_space<semaphore_mem>>, %arg8: memref<!tpu.dma_semaphore, #tpu.memory_space<semaphore_mem>>) attributes {dimension_semantics = [#tpu.dimension_semantics<core_parallel>, #tpu.dimension_semantics<subcore_parallel>], iteration_bounds = array<i64: 2, 16>, scalar_prefetch = 0 : i64, scratch_operands = 4 : i64, tpu.core_type = #tpu.core_type<sc_vector_subcore>, window_params = [{transform_indices = #map}, {transform_indices = #map1}, {transform_indices = #map}]} {
    %mul3A = arith.constant 2 : i32
    %mul3A_0 = arith.muli %arg1, %mul3A : i32
    %add3A = arith.addi %mul3A_0, %arg0 : i32
    %mul3A_1 = arith.constant 512 : i32
    %mul3A_2 = arith.muli %add3A, %mul3A_1 : i32
    "tpu.region"() ({
      %run_scoped3A = tpu.sem_alloc : memref<!tpu.dma_semaphore, #tpu.memory_space<semaphore_mem>>
      %dma_start3A_209 = arith.constant 0 : i32
      %dma_start3A_210 = arith.constant 0 : i32
      %dma_start3A_211 = tpu.memref_slice %arg3[%add3A, %dma_start3A_209, %dma_start3A_210] : memref<32x4x128xi32, #tpu.memory_space<hbm>> -> memref<1x4x128xi32, #tpu.memory_space<hbm>>
      %dma_start3A_212 = tpu.memref_squeeze %dma_start3A_211 : memref<1x4x128xi32, #tpu.memory_space<hbm>> -> memref<4x128xi32, #tpu.memory_space<hbm>>
      %dma_start3A_213 = arith.constant 0 : i32
      %dma_start3A_214 = arith.constant 0 : i32
      %dma_start3A_215 = tpu.memref_slice %arg3[%add3A, %dma_start3A_213, %dma_start3A_214] : memref<32x4x128xi32, #tpu.memory_space<hbm>> -> memref<1x4x128xi32, #tpu.memory_space<hbm>>
      %dma_start3A_216 = tpu.memref_squeeze %dma_start3A_215 : memref<1x4x128xi32, #tpu.memory_space<hbm>> -> memref<4x128xi32, #tpu.memory_space<hbm>>
      tpu.enqueue_dma source(%dma_start3A_216 : memref<4x128xi32, #tpu.memory_space<hbm>>) target(%arg5 : memref<4x128xi32, #tpu.memory_space<vmem>>) target_semaphore(%run_scoped3A : memref<!tpu.dma_semaphore, #tpu.memory_space<semaphore_mem>>)
      %dma_wait3A_217 = arith.constant 0 : i32
      %dma_wait3A_218 = arith.constant 0 : i32
      %dma_wait3A_219 = tpu.memref_slice %arg3[%add3A, %dma_wait3A_217, %dma_wait3A_218] : memref<32x4x128xi32, #tpu.memory_space<hbm>> -> memref<1x4x128xi32, #tpu.memory_space<hbm>>
      %dma_wait3A_220 = tpu.memref_squeeze %dma_wait3A_219 : memref<1x4x128xi32, #tpu.memory_space<hbm>> -> memref<4x128xi32, #tpu.memory_space<hbm>>
      %dma_wait3A_221 = arith.constant 0 : i32
      %dma_wait3A_222 = arith.constant 0 : i32
      %dma_wait3A_223 = tpu.memref_slice %arg3[%add3A, %dma_wait3A_221, %dma_wait3A_222] : memref<32x4x128xi32, #tpu.memory_space<hbm>> -> memref<1x4x128xi32, #tpu.memory_space<hbm>>
      %dma_wait3A_224 = tpu.memref_squeeze %dma_wait3A_223 : memref<1x4x128xi32, #tpu.memory_space<hbm>> -> memref<4x128xi32, #tpu.memory_space<hbm>>
      tpu.wait_dma2 semaphore(%run_scoped3A : memref<!tpu.dma_semaphore, #tpu.memory_space<semaphore_mem>>) src(%dma_wait3A_224 : memref<4x128xi32, #tpu.memory_space<hbm>>) dst(%arg5 : memref<4x128xi32, #tpu.memory_space<vmem>>)
      tpu.yield
    }) : () -> ()
    %dma_start3A = arith.constant 0 : i32
    %dma_start3A_3 = arith.constant 0 : i32
    %dma_start3A_4 = arith.constant 0 : i32
    %dma_start3A_5 = arith.constant 0 : i32
    %dma_start3A_6 = tpu.memref_slice %arg6[%dma_start3A_3, %dma_start3A_4, %dma_start3A_5] : memref<2x128x128xf32, #tpu.memory_space<vmem>> -> memref<1x128x128xf32, #tpu.memory_space<vmem>>
    %dma_start3A_7 = tpu.memref_squeeze %dma_start3A_6 : memref<1x128x128xf32, #tpu.memory_space<vmem>> -> memref<128x128xf32, #tpu.memory_space<vmem>>
    %dma_start3A_8 = arith.constant 0 : i32
    %dma_start3A_9 = tpu.memref_slice %arg5[%dma_start3A, %dma_start3A_8] : memref<4x128xi32, #tpu.memory_space<vmem>> -> memref<1x128xi32, #tpu.memory_space<vmem>>
    %dma_start3A_10 = tpu.memref_squeeze %dma_start3A_9 : memref<1x128xi32, #tpu.memory_space<vmem>> -> memref<128xi32, #tpu.memory_space<vmem>>
    %dma_start3A_11 = arith.constant 0 : i32
    %dma_start3A_12 = arith.constant 0 : i32
    %dma_start3A_13 = tpu.memref_slice %arg2[%dma_start3A_11, %dma_start3A_12] : memref<1000000x128xf32, #tpu.memory_space<hbm>> -> memref<1000000x128xf32, #tpu.memory_space<hbm>>
    tpu.enqueue_indirect_dma source(%dma_start3A_13 : memref<1000000x128xf32, #tpu.memory_space<hbm>>) target(%dma_start3A_7 : memref<128x128xf32, #tpu.memory_space<vmem>>) offsets(%dma_start3A_10 : memref<128xi32, #tpu.memory_space<vmem>>) semaphore(%arg7 : memref<!tpu.dma_semaphore, #tpu.memory_space<semaphore_mem>>)
    %dma_wait3A = arith.constant 0 : i32
    %dma_wait3A_14 = arith.constant 0 : i32
    %dma_wait3A_15 = arith.constant 0 : i32
    %dma_wait3A_16 = arith.constant 0 : i32
    %dma_wait3A_17 = tpu.memref_slice %arg6[%dma_wait3A_14, %dma_wait3A_15, %dma_wait3A_16] : memref<2x128x128xf32, #tpu.memory_space<vmem>> -> memref<1x128x128xf32, #tpu.memory_space<vmem>>
    %dma_wait3A_18 = tpu.memref_squeeze %dma_wait3A_17 : memref<1x128x128xf32, #tpu.memory_space<vmem>> -> memref<128x128xf32, #tpu.memory_space<vmem>>
    %dma_wait3A_19 = arith.constant 0 : i32
    %dma_wait3A_20 = tpu.memref_slice %arg5[%dma_wait3A, %dma_wait3A_19] : memref<4x128xi32, #tpu.memory_space<vmem>> -> memref<1x128xi32, #tpu.memory_space<vmem>>
    %dma_wait3A_21 = tpu.memref_squeeze %dma_wait3A_20 : memref<1x128xi32, #tpu.memory_space<vmem>> -> memref<128xi32, #tpu.memory_space<vmem>>
    %dma_wait3A_22 = arith.constant 0 : i32
    %dma_wait3A_23 = arith.constant 0 : i32
    %dma_wait3A_24 = tpu.memref_slice %arg2[%dma_wait3A_22, %dma_wait3A_23] : memref<1000000x128xf32, #tpu.memory_space<hbm>> -> memref<1000000x128xf32, #tpu.memory_space<hbm>>
    tpu.wait_indirect_dma semaphore(%arg7 : memref<!tpu.dma_semaphore, #tpu.memory_space<semaphore_mem>>) src(%dma_wait3A_24 : memref<1000000x128xf32, #tpu.memory_space<hbm>>) dst(%dma_wait3A_18 : memref<128x128xf32, #tpu.memory_space<vmem>>)
    %add3A_25 = arith.constant 0 : i32
    %add3A_26 = arith.addi %mul3A_2, %add3A_25 : i32
    %dma_start3A_27 = arith.constant 0 : i32
    %dma_start3A_28 = arith.constant 0 : i32
    %dma_start3A_29 = arith.constant 0 : i32
    %dma_start3A_30 = tpu.memref_slice %arg6[%dma_start3A_27, %dma_start3A_28, %dma_start3A_29] : memref<2x128x128xf32, #tpu.memory_space<vmem>> -> memref<1x128x128xf32, #tpu.memory_space<vmem>>
    %dma_start3A_31 = tpu.memref_squeeze %dma_start3A_30 : memref<1x128x128xf32, #tpu.memory_space<vmem>> -> memref<128x128xf32, #tpu.memory_space<vmem>>
    %dma_start3A_32 = arith.constant 0 : i32
    %dma_start3A_33 = tpu.memref_slice %arg4[%add3A_26, %dma_start3A_32] : memref<16384x128xf32, #tpu.memory_space<hbm>> -> memref<128x128xf32, #tpu.memory_space<hbm>>
    %dma_start3A_34 = arith.constant 0 : i32
    %dma_start3A_35 = tpu.memref_slice %arg4[%add3A_26, %dma_start3A_34] : memref<16384x128xf32, #tpu.memory_space<hbm>> -> memref<128x128xf32, #tpu.memory_space<hbm>>
    %dma_start3A_36 = arith.constant 0 : i32
    %dma_start3A_37 = arith.constant 0 : i32
    %dma_start3A_38 = tpu.memref_slice %arg6[%dma_start3A_27, %dma_start3A_36, %dma_start3A_37] : memref<2x128x128xf32, #tpu.memory_space<vmem>> -> memref<1x128x128xf32, #tpu.memory_space<vmem>>
    %dma_start3A_39 = tpu.memref_squeeze %dma_start3A_38 : memref<1x128x128xf32, #tpu.memory_space<vmem>> -> memref<128x128xf32, #tpu.memory_space<vmem>>
    tpu.enqueue_dma source(%dma_start3A_39 : memref<128x128xf32, #tpu.memory_space<vmem>>) target(%dma_start3A_35 : memref<128x128xf32, #tpu.memory_space<hbm>>) target_semaphore(%arg8 : memref<!tpu.dma_semaphore, #tpu.memory_space<semaphore_mem>>)
    %dma_start3A_40 = arith.constant 1 : i32
    %dma_start3A_41 = arith.constant 1 : i32
    %dma_start3A_42 = arith.constant 0 : i32
    %dma_start3A_43 = arith.constant 0 : i32
    %dma_start3A_44 = tpu.memref_slice %arg6[%dma_start3A_41, %dma_start3A_42, %dma_start3A_43] : memref<2x128x128xf32, #tpu.memory_space<vmem>> -> memref<1x128x128xf32, #tpu.memory_space<vmem>>
    %dma_start3A_45 = tpu.memref_squeeze %dma_start3A_44 : memref<1x128x128xf32, #tpu.memory_space<vmem>> -> memref<128x128xf32, #tpu.memory_space<vmem>>
    %dma_start3A_46 = arith.constant 0 : i32
    %dma_start3A_47 = tpu.memref_slice %arg5[%dma_start3A_40, %dma_start3A_46] : memref<4x128xi32, #tpu.memory_space<vmem>> -> memref<1x128xi32, #tpu.memory_space<vmem>>
    %dma_start3A_48 = tpu.memref_squeeze %dma_start3A_47 : memref<1x128xi32, #tpu.memory_space<vmem>> -> memref<128xi32, #tpu.memory_space<vmem>>
    %dma_start3A_49 = arith.constant 0 : i32
    %dma_start3A_50 = arith.constant 0 : i32
    %dma_start3A_51 = tpu.memref_slice %arg2[%dma_start3A_49, %dma_start3A_50] : memref<1000000x128xf32, #tpu.memory_space<hbm>> -> memref<1000000x128xf32, #tpu.memory_space<hbm>>
    tpu.enqueue_indirect_dma source(%dma_start3A_51 : memref<1000000x128xf32, #tpu.memory_space<hbm>>) target(%dma_start3A_45 : memref<128x128xf32, #tpu.memory_space<vmem>>) offsets(%dma_start3A_48 : memref<128xi32, #tpu.memory_space<vmem>>) semaphore(%arg7 : memref<!tpu.dma_semaphore, #tpu.memory_space<semaphore_mem>>)
    %dma_wait3A_52 = arith.constant 1 : i32
    %dma_wait3A_53 = arith.constant 1 : i32
    %dma_wait3A_54 = arith.constant 0 : i32
    %dma_wait3A_55 = arith.constant 0 : i32
    %dma_wait3A_56 = tpu.memref_slice %arg6[%dma_wait3A_53, %dma_wait3A_54, %dma_wait3A_55] : memref<2x128x128xf32, #tpu.memory_space<vmem>> -> memref<1x128x128xf32, #tpu.memory_space<vmem>>
    %dma_wait3A_57 = tpu.memref_squeeze %dma_wait3A_56 : memref<1x128x128xf32, #tpu.memory_space<vmem>> -> memref<128x128xf32, #tpu.memory_space<vmem>>
    %dma_wait3A_58 = arith.constant 0 : i32
    %dma_wait3A_59 = tpu.memref_slice %arg5[%dma_wait3A_52, %dma_wait3A_58] : memref<4x128xi32, #tpu.memory_space<vmem>> -> memref<1x128xi32, #tpu.memory_space<vmem>>
    %dma_wait3A_60 = tpu.memref_squeeze %dma_wait3A_59 : memref<1x128xi32, #tpu.memory_space<vmem>> -> memref<128xi32, #tpu.memory_space<vmem>>
    %dma_wait3A_61 = arith.constant 0 : i32
    %dma_wait3A_62 = arith.constant 0 : i32
    %dma_wait3A_63 = tpu.memref_slice %arg2[%dma_wait3A_61, %dma_wait3A_62] : memref<1000000x128xf32, #tpu.memory_space<hbm>> -> memref<1000000x128xf32, #tpu.memory_space<hbm>>
    tpu.wait_indirect_dma semaphore(%arg7 : memref<!tpu.dma_semaphore, #tpu.memory_space<semaphore_mem>>) src(%dma_wait3A_63 : memref<1000000x128xf32, #tpu.memory_space<hbm>>) dst(%dma_wait3A_57 : memref<128x128xf32, #tpu.memory_space<vmem>>)
    %add3A_64 = arith.constant 128 : i32
    %add3A_65 = arith.addi %mul3A_2, %add3A_64 : i32
    %dma_start3A_66 = arith.constant 1 : i32
    %dma_start3A_67 = arith.constant 0 : i32
    %dma_start3A_68 = arith.constant 0 : i32
    %dma_start3A_69 = tpu.memref_slice %arg6[%dma_start3A_66, %dma_start3A_67, %dma_start3A_68] : memref<2x128x128xf32, #tpu.memory_space<vmem>> -> memref<1x128x128xf32, #tpu.memory_space<vmem>>
    %dma_start3A_70 = tpu.memref_squeeze %dma_start3A_69 : memref<1x128x128xf32, #tpu.memory_space<vmem>> -> memref<128x128xf32, #tpu.memory_space<vmem>>
    %dma_start3A_71 = arith.constant 0 : i32
    %dma_start3A_72 = tpu.memref_slice %arg4[%add3A_65, %dma_start3A_71] : memref<16384x128xf32, #tpu.memory_space<hbm>> -> memref<128x128xf32, #tpu.memory_space<hbm>>
    %dma_start3A_73 = arith.constant 0 : i32
    %dma_start3A_74 = tpu.memref_slice %arg4[%add3A_65, %dma_start3A_73] : memref<16384x128xf32, #tpu.memory_space<hbm>> -> memref<128x128xf32, #tpu.memory_space<hbm>>
    %dma_start3A_75 = arith.constant 0 : i32
    %dma_start3A_76 = arith.constant 0 : i32
    %dma_start3A_77 = tpu.memref_slice %arg6[%dma_start3A_66, %dma_start3A_75, %dma_start3A_76] : memref<2x128x128xf32, #tpu.memory_space<vmem>> -> memref<1x128x128xf32, #tpu.memory_space<vmem>>
    %dma_start3A_78 = tpu.memref_squeeze %dma_start3A_77 : memref<1x128x128xf32, #tpu.memory_space<vmem>> -> memref<128x128xf32, #tpu.memory_space<vmem>>
    tpu.enqueue_dma source(%dma_start3A_78 : memref<128x128xf32, #tpu.memory_space<vmem>>) target(%dma_start3A_74 : memref<128x128xf32, #tpu.memory_space<hbm>>) target_semaphore(%arg8 : memref<!tpu.dma_semaphore, #tpu.memory_space<semaphore_mem>>)
    %dma_wait3A_79 = arith.constant 0 : i32
    %dma_wait3A_80 = arith.constant 0 : i32
    %dma_wait3A_81 = arith.constant 0 : i32
    %dma_wait3A_82 = tpu.memref_slice %arg6[%dma_wait3A_79, %dma_wait3A_80, %dma_wait3A_81] : memref<2x128x128xf32, #tpu.memory_space<vmem>> -> memref<1x128x128xf32, #tpu.memory_space<vmem>>
    %dma_wait3A_83 = tpu.memref_squeeze %dma_wait3A_82 : memref<1x128x128xf32, #tpu.memory_space<vmem>> -> memref<128x128xf32, #tpu.memory_space<vmem>>
    %dma_wait3A_84 = arith.constant 0 : i32
    %dma_wait3A_85 = tpu.memref_slice %arg4[%add3A_26, %dma_wait3A_84] : memref<16384x128xf32, #tpu.memory_space<hbm>> -> memref<128x128xf32, #tpu.memory_space<hbm>>
    %dma_wait3A_86 = arith.constant 0 : i32
    %dma_wait3A_87 = tpu.memref_slice %arg4[%add3A_26, %dma_wait3A_86] : memref<16384x128xf32, #tpu.memory_space<hbm>> -> memref<128x128xf32, #tpu.memory_space<hbm>>
    %dma_wait3A_88 = arith.constant 0 : i32
    %dma_wait3A_89 = arith.constant 0 : i32
    %dma_wait3A_90 = tpu.memref_slice %arg6[%dma_wait3A_79, %dma_wait3A_88, %dma_wait3A_89] : memref<2x128x128xf32, #tpu.memory_space<vmem>> -> memref<1x128x128xf32, #tpu.memory_space<vmem>>
    %dma_wait3A_91 = tpu.memref_squeeze %dma_wait3A_90 : memref<1x128x128xf32, #tpu.memory_space<vmem>> -> memref<128x128xf32, #tpu.memory_space<vmem>>
    tpu.wait_dma2 semaphore(%arg8 : memref<!tpu.dma_semaphore, #tpu.memory_space<semaphore_mem>>) src(%dma_wait3A_91 : memref<128x128xf32, #tpu.memory_space<vmem>>) dst(%dma_wait3A_87 : memref<128x128xf32, #tpu.memory_space<hbm>>)
    %dma_start3A_92 = arith.constant 2 : i32
    %dma_start3A_93 = arith.constant 0 : i32
    %dma_start3A_94 = arith.constant 0 : i32
    %dma_start3A_95 = arith.constant 0 : i32
    %dma_start3A_96 = tpu.memref_slice %arg6[%dma_start3A_93, %dma_start3A_94, %dma_start3A_95] : memref<2x128x128xf32, #tpu.memory_space<vmem>> -> memref<1x128x128xf32, #tpu.memory_space<vmem>>
    %dma_start3A_97 = tpu.memref_squeeze %dma_start3A_96 : memref<1x128x128xf32, #tpu.memory_space<vmem>> -> memref<128x128xf32, #tpu.memory_space<vmem>>
    %dma_start3A_98 = arith.constant 0 : i32
    %dma_start3A_99 = tpu.memref_slice %arg5[%dma_start3A_92, %dma_start3A_98] : memref<4x128xi32, #tpu.memory_space<vmem>> -> memref<1x128xi32, #tpu.memory_space<vmem>>
    %dma_start3A_100 = tpu.memref_squeeze %dma_start3A_99 : memref<1x128xi32, #tpu.memory_space<vmem>> -> memref<128xi32, #tpu.memory_space<vmem>>
    %dma_start3A_101 = arith.constant 0 : i32
    %dma_start3A_102 = arith.constant 0 : i32
    %dma_start3A_103 = tpu.memref_slice %arg2[%dma_start3A_101, %dma_start3A_102] : memref<1000000x128xf32, #tpu.memory_space<hbm>> -> memref<1000000x128xf32, #tpu.memory_space<hbm>>
    tpu.enqueue_indirect_dma source(%dma_start3A_103 : memref<1000000x128xf32, #tpu.memory_space<hbm>>) target(%dma_start3A_97 : memref<128x128xf32, #tpu.memory_space<vmem>>) offsets(%dma_start3A_100 : memref<128xi32, #tpu.memory_space<vmem>>) semaphore(%arg7 : memref<!tpu.dma_semaphore, #tpu.memory_space<semaphore_mem>>)
    %dma_wait3A_104 = arith.constant 2 : i32
    %dma_wait3A_105 = arith.constant 0 : i32
    %dma_wait3A_106 = arith.constant 0 : i32
    %dma_wait3A_107 = arith.constant 0 : i32
    %dma_wait3A_108 = tpu.memref_slice %arg6[%dma_wait3A_105, %dma_wait3A_106, %dma_wait3A_107] : memref<2x128x128xf32, #tpu.memory_space<vmem>> -> memref<1x128x128xf32, #tpu.memory_space<vmem>>
    %dma_wait3A_109 = tpu.memref_squeeze %dma_wait3A_108 : memref<1x128x128xf32, #tpu.memory_space<vmem>> -> memref<128x128xf32, #tpu.memory_space<vmem>>
    %dma_wait3A_110 = arith.constant 0 : i32
    %dma_wait3A_111 = tpu.memref_slice %arg5[%dma_wait3A_104, %dma_wait3A_110] : memref<4x128xi32, #tpu.memory_space<vmem>> -> memref<1x128xi32, #tpu.memory_space<vmem>>
    %dma_wait3A_112 = tpu.memref_squeeze %dma_wait3A_111 : memref<1x128xi32, #tpu.memory_space<vmem>> -> memref<128xi32, #tpu.memory_space<vmem>>
    %dma_wait3A_113 = arith.constant 0 : i32
    %dma_wait3A_114 = arith.constant 0 : i32
    %dma_wait3A_115 = tpu.memref_slice %arg2[%dma_wait3A_113, %dma_wait3A_114] : memref<1000000x128xf32, #tpu.memory_space<hbm>> -> memref<1000000x128xf32, #tpu.memory_space<hbm>>
    tpu.wait_indirect_dma semaphore(%arg7 : memref<!tpu.dma_semaphore, #tpu.memory_space<semaphore_mem>>) src(%dma_wait3A_115 : memref<1000000x128xf32, #tpu.memory_space<hbm>>) dst(%dma_wait3A_109 : memref<128x128xf32, #tpu.memory_space<vmem>>)
    %add3A_116 = arith.constant 256 : i32
    %add3A_117 = arith.addi %mul3A_2, %add3A_116 : i32
    %dma_start3A_118 = arith.constant 0 : i32
    %dma_start3A_119 = arith.constant 0 : i32
    %dma_start3A_120 = arith.constant 0 : i32
    %dma_start3A_121 = tpu.memref_slice %arg6[%dma_start3A_118, %dma_start3A_119, %dma_start3A_120] : memref<2x128x128xf32, #tpu.memory_space<vmem>> -> memref<1x128x128xf32, #tpu.memory_space<vmem>>
    %dma_start3A_122 = tpu.memref_squeeze %dma_start3A_121 : memref<1x128x128xf32, #tpu.memory_space<vmem>> -> memref<128x128xf32, #tpu.memory_space<vmem>>
    %dma_start3A_123 = arith.constant 0 : i32
    %dma_start3A_124 = tpu.memref_slice %arg4[%add3A_117, %dma_start3A_123] : memref<16384x128xf32, #tpu.memory_space<hbm>> -> memref<128x128xf32, #tpu.memory_space<hbm>>
    %dma_start3A_125 = arith.constant 0 : i32
    %dma_start3A_126 = tpu.memref_slice %arg4[%add3A_117, %dma_start3A_125] : memref<16384x128xf32, #tpu.memory_space<hbm>> -> memref<128x128xf32, #tpu.memory_space<hbm>>
    %dma_start3A_127 = arith.constant 0 : i32
    %dma_start3A_128 = arith.constant 0 : i32
    %dma_start3A_129 = tpu.memref_slice %arg6[%dma_start3A_118, %dma_start3A_127, %dma_start3A_128] : memref<2x128x128xf32, #tpu.memory_space<vmem>> -> memref<1x128x128xf32, #tpu.memory_space<vmem>>
    %dma_start3A_130 = tpu.memref_squeeze %dma_start3A_129 : memref<1x128x128xf32, #tpu.memory_space<vmem>> -> memref<128x128xf32, #tpu.memory_space<vmem>>
    tpu.enqueue_dma source(%dma_start3A_130 : memref<128x128xf32, #tpu.memory_space<vmem>>) target(%dma_start3A_126 : memref<128x128xf32, #tpu.memory_space<hbm>>) target_semaphore(%arg8 : memref<!tpu.dma_semaphore, #tpu.memory_space<semaphore_mem>>)
    %dma_wait3A_131 = arith.constant 1 : i32
    %dma_wait3A_132 = arith.constant 0 : i32
    %dma_wait3A_133 = arith.constant 0 : i32
    %dma_wait3A_134 = tpu.memref_slice %arg6[%dma_wait3A_131, %dma_wait3A_132, %dma_wait3A_133] : memref<2x128x128xf32, #tpu.memory_space<vmem>> -> memref<1x128x128xf32, #tpu.memory_space<vmem>>
    %dma_wait3A_135 = tpu.memref_squeeze %dma_wait3A_134 : memref<1x128x128xf32, #tpu.memory_space<vmem>> -> memref<128x128xf32, #tpu.memory_space<vmem>>
    %dma_wait3A_136 = arith.constant 0 : i32
    %dma_wait3A_137 = tpu.memref_slice %arg4[%add3A_65, %dma_wait3A_136] : memref<16384x128xf32, #tpu.memory_space<hbm>> -> memref<128x128xf32, #tpu.memory_space<hbm>>
    %dma_wait3A_138 = arith.constant 0 : i32
    %dma_wait3A_139 = tpu.memref_slice %arg4[%add3A_65, %dma_wait3A_138] : memref<16384x128xf32, #tpu.memory_space<hbm>> -> memref<128x128xf32, #tpu.memory_space<hbm>>
    %dma_wait3A_140 = arith.constant 0 : i32
    %dma_wait3A_141 = arith.constant 0 : i32
    %dma_wait3A_142 = tpu.memref_slice %arg6[%dma_wait3A_131, %dma_wait3A_140, %dma_wait3A_141] : memref<2x128x128xf32, #tpu.memory_space<vmem>> -> memref<1x128x128xf32, #tpu.memory_space<vmem>>
    %dma_wait3A_143 = tpu.memref_squeeze %dma_wait3A_142 : memref<1x128x128xf32, #tpu.memory_space<vmem>> -> memref<128x128xf32, #tpu.memory_space<vmem>>
    tpu.wait_dma2 semaphore(%arg8 : memref<!tpu.dma_semaphore, #tpu.memory_space<semaphore_mem>>) src(%dma_wait3A_143 : memref<128x128xf32, #tpu.memory_space<vmem>>) dst(%dma_wait3A_139 : memref<128x128xf32, #tpu.memory_space<hbm>>)
    %dma_start3A_144 = arith.constant 3 : i32
    %dma_start3A_145 = arith.constant 1 : i32
    %dma_start3A_146 = arith.constant 0 : i32
    %dma_start3A_147 = arith.constant 0 : i32
    %dma_start3A_148 = tpu.memref_slice %arg6[%dma_start3A_145, %dma_start3A_146, %dma_start3A_147] : memref<2x128x128xf32, #tpu.memory_space<vmem>> -> memref<1x128x128xf32, #tpu.memory_space<vmem>>
    %dma_start3A_149 = tpu.memref_squeeze %dma_start3A_148 : memref<1x128x128xf32, #tpu.memory_space<vmem>> -> memref<128x128xf32, #tpu.memory_space<vmem>>
    %dma_start3A_150 = arith.constant 0 : i32
    %dma_start3A_151 = tpu.memref_slice %arg5[%dma_start3A_144, %dma_start3A_150] : memref<4x128xi32, #tpu.memory_space<vmem>> -> memref<1x128xi32, #tpu.memory_space<vmem>>
    %dma_start3A_152 = tpu.memref_squeeze %dma_start3A_151 : memref<1x128xi32, #tpu.memory_space<vmem>> -> memref<128xi32, #tpu.memory_space<vmem>>
    %dma_start3A_153 = arith.constant 0 : i32
    %dma_start3A_154 = arith.constant 0 : i32
    %dma_start3A_155 = tpu.memref_slice %arg2[%dma_start3A_153, %dma_start3A_154] : memref<1000000x128xf32, #tpu.memory_space<hbm>> -> memref<1000000x128xf32, #tpu.memory_space<hbm>>
    tpu.enqueue_indirect_dma source(%dma_start3A_155 : memref<1000000x128xf32, #tpu.memory_space<hbm>>) target(%dma_start3A_149 : memref<128x128xf32, #tpu.memory_space<vmem>>) offsets(%dma_start3A_152 : memref<128xi32, #tpu.memory_space<vmem>>) semaphore(%arg7 : memref<!tpu.dma_semaphore, #tpu.memory_space<semaphore_mem>>)
    %dma_wait3A_156 = arith.constant 3 : i32
    %dma_wait3A_157 = arith.constant 1 : i32
    %dma_wait3A_158 = arith.constant 0 : i32
    %dma_wait3A_159 = arith.constant 0 : i32
    %dma_wait3A_160 = tpu.memref_slice %arg6[%dma_wait3A_157, %dma_wait3A_158, %dma_wait3A_159] : memref<2x128x128xf32, #tpu.memory_space<vmem>> -> memref<1x128x128xf32, #tpu.memory_space<vmem>>
    %dma_wait3A_161 = tpu.memref_squeeze %dma_wait3A_160 : memref<1x128x128xf32, #tpu.memory_space<vmem>> -> memref<128x128xf32, #tpu.memory_space<vmem>>
    %dma_wait3A_162 = arith.constant 0 : i32
    %dma_wait3A_163 = tpu.memref_slice %arg5[%dma_wait3A_156, %dma_wait3A_162] : memref<4x128xi32, #tpu.memory_space<vmem>> -> memref<1x128xi32, #tpu.memory_space<vmem>>
    %dma_wait3A_164 = tpu.memref_squeeze %dma_wait3A_163 : memref<1x128xi32, #tpu.memory_space<vmem>> -> memref<128xi32, #tpu.memory_space<vmem>>
    %dma_wait3A_165 = arith.constant 0 : i32
    %dma_wait3A_166 = arith.constant 0 : i32
    %dma_wait3A_167 = tpu.memref_slice %arg2[%dma_wait3A_165, %dma_wait3A_166] : memref<1000000x128xf32, #tpu.memory_space<hbm>> -> memref<1000000x128xf32, #tpu.memory_space<hbm>>
    tpu.wait_indirect_dma semaphore(%arg7 : memref<!tpu.dma_semaphore, #tpu.memory_space<semaphore_mem>>) src(%dma_wait3A_167 : memref<1000000x128xf32, #tpu.memory_space<hbm>>) dst(%dma_wait3A_161 : memref<128x128xf32, #tpu.memory_space<vmem>>)
    %add3A_168 = arith.constant 384 : i32
    %add3A_169 = arith.addi %mul3A_2, %add3A_168 : i32
    %dma_start3A_170 = arith.constant 1 : i32
    %dma_start3A_171 = arith.constant 0 : i32
    %dma_start3A_172 = arith.constant 0 : i32
    %dma_start3A_173 = tpu.memref_slice %arg6[%dma_start3A_170, %dma_start3A_171, %dma_start3A_172] : memref<2x128x128xf32, #tpu.memory_space<vmem>> -> memref<1x128x128xf32, #tpu.memory_space<vmem>>
    %dma_start3A_174 = tpu.memref_squeeze %dma_start3A_173 : memref<1x128x128xf32, #tpu.memory_space<vmem>> -> memref<128x128xf32, #tpu.memory_space<vmem>>
    %dma_start3A_175 = arith.constant 0 : i32
    %dma_start3A_176 = tpu.memref_slice %arg4[%add3A_169, %dma_start3A_175] : memref<16384x128xf32, #tpu.memory_space<hbm>> -> memref<128x128xf32, #tpu.memory_space<hbm>>
    %dma_start3A_177 = arith.constant 0 : i32
    %dma_start3A_178 = tpu.memref_slice %arg4[%add3A_169, %dma_start3A_177] : memref<16384x128xf32, #tpu.memory_space<hbm>> -> memref<128x128xf32, #tpu.memory_space<hbm>>
    %dma_start3A_179 = arith.constant 0 : i32
    %dma_start3A_180 = arith.constant 0 : i32
    %dma_start3A_181 = tpu.memref_slice %arg6[%dma_start3A_170, %dma_start3A_179, %dma_start3A_180] : memref<2x128x128xf32, #tpu.memory_space<vmem>> -> memref<1x128x128xf32, #tpu.memory_space<vmem>>
    %dma_start3A_182 = tpu.memref_squeeze %dma_start3A_181 : memref<1x128x128xf32, #tpu.memory_space<vmem>> -> memref<128x128xf32, #tpu.memory_space<vmem>>
    tpu.enqueue_dma source(%dma_start3A_182 : memref<128x128xf32, #tpu.memory_space<vmem>>) target(%dma_start3A_178 : memref<128x128xf32, #tpu.memory_space<hbm>>) target_semaphore(%arg8 : memref<!tpu.dma_semaphore, #tpu.memory_space<semaphore_mem>>)
    %dma_wait3A_183 = arith.constant 0 : i32
    %dma_wait3A_184 = arith.constant 0 : i32
    %dma_wait3A_185 = arith.constant 0 : i32
    %dma_wait3A_186 = tpu.memref_slice %arg6[%dma_wait3A_183, %dma_wait3A_184, %dma_wait3A_185] : memref<2x128x128xf32, #tpu.memory_space<vmem>> -> memref<1x128x128xf32, #tpu.memory_space<vmem>>
    %dma_wait3A_187 = tpu.memref_squeeze %dma_wait3A_186 : memref<1x128x128xf32, #tpu.memory_space<vmem>> -> memref<128x128xf32, #tpu.memory_space<vmem>>
    %dma_wait3A_188 = arith.constant 0 : i32
    %dma_wait3A_189 = tpu.memref_slice %arg4[%add3A_117, %dma_wait3A_188] : memref<16384x128xf32, #tpu.memory_space<hbm>> -> memref<128x128xf32, #tpu.memory_space<hbm>>
    %dma_wait3A_190 = arith.constant 0 : i32
    %dma_wait3A_191 = tpu.memref_slice %arg4[%add3A_117, %dma_wait3A_190] : memref<16384x128xf32, #tpu.memory_space<hbm>> -> memref<128x128xf32, #tpu.memory_space<hbm>>
    %dma_wait3A_192 = arith.constant 0 : i32
    %dma_wait3A_193 = arith.constant 0 : i32
    %dma_wait3A_194 = tpu.memref_slice %arg6[%dma_wait3A_183, %dma_wait3A_192, %dma_wait3A_193] : memref<2x128x128xf32, #tpu.memory_space<vmem>> -> memref<1x128x128xf32, #tpu.memory_space<vmem>>
    %dma_wait3A_195 = tpu.memref_squeeze %dma_wait3A_194 : memref<1x128x128xf32, #tpu.memory_space<vmem>> -> memref<128x128xf32, #tpu.memory_space<vmem>>
    tpu.wait_dma2 semaphore(%arg8 : memref<!tpu.dma_semaphore, #tpu.memory_space<semaphore_mem>>) src(%dma_wait3A_195 : memref<128x128xf32, #tpu.memory_space<vmem>>) dst(%dma_wait3A_191 : memref<128x128xf32, #tpu.memory_space<hbm>>)
    %dma_wait3A_196 = arith.constant 1 : i32
    %dma_wait3A_197 = arith.constant 0 : i32
    %dma_wait3A_198 = arith.constant 0 : i32
    %dma_wait3A_199 = tpu.memref_slice %arg6[%dma_wait3A_196, %dma_wait3A_197, %dma_wait3A_198] : memref<2x128x128xf32, #tpu.memory_space<vmem>> -> memref<1x128x128xf32, #tpu.memory_space<vmem>>
    %dma_wait3A_200 = tpu.memref_squeeze %dma_wait3A_199 : memref<1x128x128xf32, #tpu.memory_space<vmem>> -> memref<128x128xf32, #tpu.memory_space<vmem>>
    %dma_wait3A_201 = arith.constant 0 : i32
    %dma_wait3A_202 = tpu.memref_slice %arg4[%add3A_169, %dma_wait3A_201] : memref<16384x128xf32, #tpu.memory_space<hbm>> -> memref<128x128xf32, #tpu.memory_space<hbm>>
    %dma_wait3A_203 = arith.constant 0 : i32
    %dma_wait3A_204 = tpu.memref_slice %arg4[%add3A_169, %dma_wait3A_203] : memref<16384x128xf32, #tpu.memory_space<hbm>> -> memref<128x128xf32, #tpu.memory_space<hbm>>
    %dma_wait3A_205 = arith.constant 0 : i32
    %dma_wait3A_206 = arith.constant 0 : i32
    %dma_wait3A_207 = tpu.memref_slice %arg6[%dma_wait3A_196, %dma_wait3A_205, %dma_wait3A_206] : memref<2x128x128xf32, #tpu.memory_space<vmem>> -> memref<1x128x128xf32, #tpu.memory_space<vmem>>
    %dma_wait3A_208 = tpu.memref_squeeze %dma_wait3A_207 : memref<1x128x128xf32, #tpu.memory_space<vmem>> -> memref<128x128xf32, #tpu.memory_space<vmem>>
    tpu.wait_dma2 semaphore(%arg8 : memref<!tpu.dma_semaphore, #tpu.memory_space<semaphore_mem>>) src(%dma_wait3A_208 : memref<128x128xf32, #tpu.memory_space<vmem>>) dst(%dma_wait3A_204 : memref<128x128xf32, #tpu.memory_space<hbm>>)
    return
  }
}

#map = affine_map<(d0, d1) -> (0, 0)>
#map1 = affine_map<(d0, d1) -> (0)>
#map2 = affine_map<(d0, d1) -> (0, 0, 0)>
module attributes {stable_mosaic.version = 14 : i64} {
  func.func @k(%arg0: i32, %arg1: i32, %arg2: memref<100000x32xf32, #tpu.memory_space<hbm>>, %arg3: memref<1000000xf32, #tpu.memory_space<hbm>>, %arg4: memref<100000xf32, #tpu.memory_space<hbm>>, %arg5: memref<32x4x128xi32, #tpu.memory_space<hbm>>, %arg6: memref<32x4x128xi32, #tpu.memory_space<hbm>>, %arg7: memref<16384x32xf32, #tpu.memory_space<hbm>>, %arg8: memref<16384xf32, #tpu.memory_space<hbm>>, %arg9: memref<16384xf32, #tpu.memory_space<hbm>>, %arg10: memref<4x128xi32, #tpu.memory_space<vmem>>, %arg11: memref<4x128xi32, #tpu.memory_space<vmem>>, %arg12: memref<512x32xf32, #tpu.memory_space<vmem>>, %arg13: memref<512xf32, #tpu.memory_space<vmem>>, %arg14: memref<512xf32, #tpu.memory_space<vmem>>, %arg15: memref<!tpu.dma_semaphore, #tpu.memory_space<semaphore_mem>>) attributes {dimension_semantics = [#tpu.dimension_semantics<core_parallel>, #tpu.dimension_semantics<subcore_parallel>], iteration_bounds = array<i64: 2, 16>, scalar_prefetch = 0 : i64, scratch_operands = 6 : i64, tpu.core_type = #tpu.core_type<sc_vector_subcore>, window_params = [{transform_indices = #map}, {transform_indices = #map1}, {transform_indices = #map1}, {transform_indices = #map2}, {transform_indices = #map2}, {transform_indices = #map}, {transform_indices = #map1}, {transform_indices = #map1}]} {
    %mul3A = arith.constant 2 : i32
    %mul3A_0 = arith.muli %arg1, %mul3A : i32
    %add3A = arith.addi %mul3A_0, %arg0 : i32
    %mul3A_1 = arith.constant 512 : i32
    %mul3A_2 = arith.muli %add3A, %mul3A_1 : i32
    "tpu.region"() ({
      %run_scoped3A = tpu.sem_alloc : memref<!tpu.dma_semaphore, #tpu.memory_space<semaphore_mem>>
      %dma_start3A_209 = arith.constant 0 : i32
      %dma_start3A_210 = arith.constant 0 : i32
      %dma_start3A_211 = tpu.memref_slice %arg5[%add3A, %dma_start3A_209, %dma_start3A_210] : memref<32x4x128xi32, #tpu.memory_space<hbm>> -> memref<1x4x128xi32, #tpu.memory_space<hbm>>
      %dma_start3A_212 = tpu.memref_squeeze %dma_start3A_211 : memref<1x4x128xi32, #tpu.memory_space<hbm>> -> memref<4x128xi32, #tpu.memory_space<hbm>>
      %dma_start3A_213 = arith.constant 0 : i32
      %dma_start3A_214 = arith.constant 0 : i32
      %dma_start3A_215 = tpu.memref_slice %arg5[%add3A, %dma_start3A_213, %dma_start3A_214] : memref<32x4x128xi32, #tpu.memory_space<hbm>> -> memref<1x4x128xi32, #tpu.memory_space<hbm>>
      %dma_start3A_216 = tpu.memref_squeeze %dma_start3A_215 : memref<1x4x128xi32, #tpu.memory_space<hbm>> -> memref<4x128xi32, #tpu.memory_space<hbm>>
      tpu.enqueue_dma source(%dma_start3A_216 : memref<4x128xi32, #tpu.memory_space<hbm>>) target(%arg10 : memref<4x128xi32, #tpu.memory_space<vmem>>) target_semaphore(%run_scoped3A : memref<!tpu.dma_semaphore, #tpu.memory_space<semaphore_mem>>)
      %dma_wait3A_217 = arith.constant 0 : i32
      %dma_wait3A_218 = arith.constant 0 : i32
      %dma_wait3A_219 = tpu.memref_slice %arg5[%add3A, %dma_wait3A_217, %dma_wait3A_218] : memref<32x4x128xi32, #tpu.memory_space<hbm>> -> memref<1x4x128xi32, #tpu.memory_space<hbm>>
      %dma_wait3A_220 = tpu.memref_squeeze %dma_wait3A_219 : memref<1x4x128xi32, #tpu.memory_space<hbm>> -> memref<4x128xi32, #tpu.memory_space<hbm>>
      %dma_wait3A_221 = arith.constant 0 : i32
      %dma_wait3A_222 = arith.constant 0 : i32
      %dma_wait3A_223 = tpu.memref_slice %arg5[%add3A, %dma_wait3A_221, %dma_wait3A_222] : memref<32x4x128xi32, #tpu.memory_space<hbm>> -> memref<1x4x128xi32, #tpu.memory_space<hbm>>
      %dma_wait3A_224 = tpu.memref_squeeze %dma_wait3A_223 : memref<1x4x128xi32, #tpu.memory_space<hbm>> -> memref<4x128xi32, #tpu.memory_space<hbm>>
      tpu.wait_dma2 semaphore(%run_scoped3A : memref<!tpu.dma_semaphore, #tpu.memory_space<semaphore_mem>>) src(%dma_wait3A_224 : memref<4x128xi32, #tpu.memory_space<hbm>>) dst(%arg10 : memref<4x128xi32, #tpu.memory_space<vmem>>)
      tpu.yield
    }) : () -> ()
    "tpu.region"() ({
      %run_scoped3A = tpu.sem_alloc : memref<!tpu.dma_semaphore, #tpu.memory_space<semaphore_mem>>
      %dma_start3A_209 = arith.constant 0 : i32
      %dma_start3A_210 = arith.constant 0 : i32
      %dma_start3A_211 = tpu.memref_slice %arg6[%add3A, %dma_start3A_209, %dma_start3A_210] : memref<32x4x128xi32, #tpu.memory_space<hbm>> -> memref<1x4x128xi32, #tpu.memory_space<hbm>>
      %dma_start3A_212 = tpu.memref_squeeze %dma_start3A_211 : memref<1x4x128xi32, #tpu.memory_space<hbm>> -> memref<4x128xi32, #tpu.memory_space<hbm>>
      %dma_start3A_213 = arith.constant 0 : i32
      %dma_start3A_214 = arith.constant 0 : i32
      %dma_start3A_215 = tpu.memref_slice %arg6[%add3A, %dma_start3A_213, %dma_start3A_214] : memref<32x4x128xi32, #tpu.memory_space<hbm>> -> memref<1x4x128xi32, #tpu.memory_space<hbm>>
      %dma_start3A_216 = tpu.memref_squeeze %dma_start3A_215 : memref<1x4x128xi32, #tpu.memory_space<hbm>> -> memref<4x128xi32, #tpu.memory_space<hbm>>
      tpu.enqueue_dma source(%dma_start3A_216 : memref<4x128xi32, #tpu.memory_space<hbm>>) target(%arg11 : memref<4x128xi32, #tpu.memory_space<vmem>>) target_semaphore(%run_scoped3A : memref<!tpu.dma_semaphore, #tpu.memory_space<semaphore_mem>>)
      %dma_wait3A_217 = arith.constant 0 : i32
      %dma_wait3A_218 = arith.constant 0 : i32
      %dma_wait3A_219 = tpu.memref_slice %arg6[%add3A, %dma_wait3A_217, %dma_wait3A_218] : memref<32x4x128xi32, #tpu.memory_space<hbm>> -> memref<1x4x128xi32, #tpu.memory_space<hbm>>
      %dma_wait3A_220 = tpu.memref_squeeze %dma_wait3A_219 : memref<1x4x128xi32, #tpu.memory_space<hbm>> -> memref<4x128xi32, #tpu.memory_space<hbm>>
      %dma_wait3A_221 = arith.constant 0 : i32
      %dma_wait3A_222 = arith.constant 0 : i32
      %dma_wait3A_223 = tpu.memref_slice %arg6[%add3A, %dma_wait3A_221, %dma_wait3A_222] : memref<32x4x128xi32, #tpu.memory_space<hbm>> -> memref<1x4x128xi32, #tpu.memory_space<hbm>>
      %dma_wait3A_224 = tpu.memref_squeeze %dma_wait3A_223 : memref<1x4x128xi32, #tpu.memory_space<hbm>> -> memref<4x128xi32, #tpu.memory_space<hbm>>
      tpu.wait_dma2 semaphore(%run_scoped3A : memref<!tpu.dma_semaphore, #tpu.memory_space<semaphore_mem>>) src(%dma_wait3A_224 : memref<4x128xi32, #tpu.memory_space<hbm>>) dst(%arg11 : memref<4x128xi32, #tpu.memory_space<vmem>>)
      tpu.yield
    }) : () -> ()
    %dma_start3A = arith.constant 0 : i32
    %dma_start3A_3 = arith.constant 0 : i32
    %dma_start3A_4 = arith.constant 0 : i32
    %dma_start3A_5 = tpu.memref_slice %arg12[%dma_start3A_3, %dma_start3A_4] : memref<512x32xf32, #tpu.memory_space<vmem>> -> memref<128x32xf32, #tpu.memory_space<vmem>>
    %dma_start3A_6 = arith.constant 0 : i32
    %dma_start3A_7 = tpu.memref_slice %arg11[%dma_start3A, %dma_start3A_6] : memref<4x128xi32, #tpu.memory_space<vmem>> -> memref<1x128xi32, #tpu.memory_space<vmem>>
    %dma_start3A_8 = tpu.memref_squeeze %dma_start3A_7 : memref<1x128xi32, #tpu.memory_space<vmem>> -> memref<128xi32, #tpu.memory_space<vmem>>
    %dma_start3A_9 = arith.constant 0 : i32
    %dma_start3A_10 = arith.constant 0 : i32
    %dma_start3A_11 = tpu.memref_slice %arg2[%dma_start3A_9, %dma_start3A_10] : memref<100000x32xf32, #tpu.memory_space<hbm>> -> memref<100000x32xf32, #tpu.memory_space<hbm>>
    tpu.enqueue_indirect_dma source(%dma_start3A_11 : memref<100000x32xf32, #tpu.memory_space<hbm>>) target(%dma_start3A_5 : memref<128x32xf32, #tpu.memory_space<vmem>>) offsets(%dma_start3A_8 : memref<128xi32, #tpu.memory_space<vmem>>) semaphore(%arg15 : memref<!tpu.dma_semaphore, #tpu.memory_space<semaphore_mem>>)
    %dma_start3A_12 = arith.constant 0 : i32
    %dma_start3A_13 = arith.constant 0 : i32
    %dma_start3A_14 = tpu.memref_slice %arg13[%dma_start3A_13] : memref<512xf32, #tpu.memory_space<vmem>> -> memref<128xf32, #tpu.memory_space<vmem>>
    %dma_start3A_15 = arith.constant 0 : i32
    %dma_start3A_16 = tpu.memref_slice %arg10[%dma_start3A_12, %dma_start3A_15] : memref<4x128xi32, #tpu.memory_space<vmem>> -> memref<1x128xi32, #tpu.memory_space<vmem>>
    %dma_start3A_17 = tpu.memref_squeeze %dma_start3A_16 : memref<1x128xi32, #tpu.memory_space<vmem>> -> memref<128xi32, #tpu.memory_space<vmem>>
    %dma_start3A_18 = arith.constant 0 : i32
    %dma_start3A_19 = tpu.memref_slice %arg3[%dma_start3A_18] : memref<1000000xf32, #tpu.memory_space<hbm>> -> memref<1000000xf32, #tpu.memory_space<hbm>>
    tpu.enqueue_indirect_dma source(%dma_start3A_19 : memref<1000000xf32, #tpu.memory_space<hbm>>) target(%dma_start3A_14 : memref<128xf32, #tpu.memory_space<vmem>>) offsets(%dma_start3A_17 : memref<128xi32, #tpu.memory_space<vmem>>) semaphore(%arg15 : memref<!tpu.dma_semaphore, #tpu.memory_space<semaphore_mem>>)
    %dma_start3A_20 = arith.constant 0 : i32
    %dma_start3A_21 = arith.constant 0 : i32
    %dma_start3A_22 = tpu.memref_slice %arg14[%dma_start3A_21] : memref<512xf32, #tpu.memory_space<vmem>> -> memref<128xf32, #tpu.memory_space<vmem>>
    %dma_start3A_23 = arith.constant 0 : i32
    %dma_start3A_24 = tpu.memref_slice %arg11[%dma_start3A_20, %dma_start3A_23] : memref<4x128xi32, #tpu.memory_space<vmem>> -> memref<1x128xi32, #tpu.memory_space<vmem>>
    %dma_start3A_25 = tpu.memref_squeeze %dma_start3A_24 : memref<1x128xi32, #tpu.memory_space<vmem>> -> memref<128xi32, #tpu.memory_space<vmem>>
    %dma_start3A_26 = arith.constant 0 : i32
    %dma_start3A_27 = tpu.memref_slice %arg4[%dma_start3A_26] : memref<100000xf32, #tpu.memory_space<hbm>> -> memref<100000xf32, #tpu.memory_space<hbm>>
    tpu.enqueue_indirect_dma source(%dma_start3A_27 : memref<100000xf32, #tpu.memory_space<hbm>>) target(%dma_start3A_22 : memref<128xf32, #tpu.memory_space<vmem>>) offsets(%dma_start3A_25 : memref<128xi32, #tpu.memory_space<vmem>>) semaphore(%arg15 : memref<!tpu.dma_semaphore, #tpu.memory_space<semaphore_mem>>)
    %dma_start3A_28 = arith.constant 1 : i32
    %dma_start3A_29 = arith.constant 128 : i32
    %dma_start3A_30 = arith.constant 0 : i32
    %dma_start3A_31 = tpu.memref_slice %arg12[%dma_start3A_29, %dma_start3A_30] : memref<512x32xf32, #tpu.memory_space<vmem>> -> memref<128x32xf32, #tpu.memory_space<vmem>>
    %dma_start3A_32 = arith.constant 0 : i32
    %dma_start3A_33 = tpu.memref_slice %arg11[%dma_start3A_28, %dma_start3A_32] : memref<4x128xi32, #tpu.memory_space<vmem>> -> memref<1x128xi32, #tpu.memory_space<vmem>>
    %dma_start3A_34 = tpu.memref_squeeze %dma_start3A_33 : memref<1x128xi32, #tpu.memory_space<vmem>> -> memref<128xi32, #tpu.memory_space<vmem>>
    %dma_start3A_35 = arith.constant 0 : i32
    %dma_start3A_36 = arith.constant 0 : i32
    %dma_start3A_37 = tpu.memref_slice %arg2[%dma_start3A_35, %dma_start3A_36] : memref<100000x32xf32, #tpu.memory_space<hbm>> -> memref<100000x32xf32, #tpu.memory_space<hbm>>
    tpu.enqueue_indirect_dma source(%dma_start3A_37 : memref<100000x32xf32, #tpu.memory_space<hbm>>) target(%dma_start3A_31 : memref<128x32xf32, #tpu.memory_space<vmem>>) offsets(%dma_start3A_34 : memref<128xi32, #tpu.memory_space<vmem>>) semaphore(%arg15 : memref<!tpu.dma_semaphore, #tpu.memory_space<semaphore_mem>>)
    %dma_start3A_38 = arith.constant 1 : i32
    %dma_start3A_39 = arith.constant 128 : i32
    %dma_start3A_40 = tpu.memref_slice %arg13[%dma_start3A_39] : memref<512xf32, #tpu.memory_space<vmem>> -> memref<128xf32, #tpu.memory_space<vmem>>
    %dma_start3A_41 = arith.constant 0 : i32
    %dma_start3A_42 = tpu.memref_slice %arg10[%dma_start3A_38, %dma_start3A_41] : memref<4x128xi32, #tpu.memory_space<vmem>> -> memref<1x128xi32, #tpu.memory_space<vmem>>
    %dma_start3A_43 = tpu.memref_squeeze %dma_start3A_42 : memref<1x128xi32, #tpu.memory_space<vmem>> -> memref<128xi32, #tpu.memory_space<vmem>>
    %dma_start3A_44 = arith.constant 0 : i32
    %dma_start3A_45 = tpu.memref_slice %arg3[%dma_start3A_44] : memref<1000000xf32, #tpu.memory_space<hbm>> -> memref<1000000xf32, #tpu.memory_space<hbm>>
    tpu.enqueue_indirect_dma source(%dma_start3A_45 : memref<1000000xf32, #tpu.memory_space<hbm>>) target(%dma_start3A_40 : memref<128xf32, #tpu.memory_space<vmem>>) offsets(%dma_start3A_43 : memref<128xi32, #tpu.memory_space<vmem>>) semaphore(%arg15 : memref<!tpu.dma_semaphore, #tpu.memory_space<semaphore_mem>>)
    %dma_start3A_46 = arith.constant 1 : i32
    %dma_start3A_47 = arith.constant 128 : i32
    %dma_start3A_48 = tpu.memref_slice %arg14[%dma_start3A_47] : memref<512xf32, #tpu.memory_space<vmem>> -> memref<128xf32, #tpu.memory_space<vmem>>
    %dma_start3A_49 = arith.constant 0 : i32
    %dma_start3A_50 = tpu.memref_slice %arg11[%dma_start3A_46, %dma_start3A_49] : memref<4x128xi32, #tpu.memory_space<vmem>> -> memref<1x128xi32, #tpu.memory_space<vmem>>
    %dma_start3A_51 = tpu.memref_squeeze %dma_start3A_50 : memref<1x128xi32, #tpu.memory_space<vmem>> -> memref<128xi32, #tpu.memory_space<vmem>>
    %dma_start3A_52 = arith.constant 0 : i32
    %dma_start3A_53 = tpu.memref_slice %arg4[%dma_start3A_52] : memref<100000xf32, #tpu.memory_space<hbm>> -> memref<100000xf32, #tpu.memory_space<hbm>>
    tpu.enqueue_indirect_dma source(%dma_start3A_53 : memref<100000xf32, #tpu.memory_space<hbm>>) target(%dma_start3A_48 : memref<128xf32, #tpu.memory_space<vmem>>) offsets(%dma_start3A_51 : memref<128xi32, #tpu.memory_space<vmem>>) semaphore(%arg15 : memref<!tpu.dma_semaphore, #tpu.memory_space<semaphore_mem>>)
    %dma_start3A_54 = arith.constant 2 : i32
    %dma_start3A_55 = arith.constant 256 : i32
    %dma_start3A_56 = arith.constant 0 : i32
    %dma_start3A_57 = tpu.memref_slice %arg12[%dma_start3A_55, %dma_start3A_56] : memref<512x32xf32, #tpu.memory_space<vmem>> -> memref<128x32xf32, #tpu.memory_space<vmem>>
    %dma_start3A_58 = arith.constant 0 : i32
    %dma_start3A_59 = tpu.memref_slice %arg11[%dma_start3A_54, %dma_start3A_58] : memref<4x128xi32, #tpu.memory_space<vmem>> -> memref<1x128xi32, #tpu.memory_space<vmem>>
    %dma_start3A_60 = tpu.memref_squeeze %dma_start3A_59 : memref<1x128xi32, #tpu.memory_space<vmem>> -> memref<128xi32, #tpu.memory_space<vmem>>
    %dma_start3A_61 = arith.constant 0 : i32
    %dma_start3A_62 = arith.constant 0 : i32
    %dma_start3A_63 = tpu.memref_slice %arg2[%dma_start3A_61, %dma_start3A_62] : memref<100000x32xf32, #tpu.memory_space<hbm>> -> memref<100000x32xf32, #tpu.memory_space<hbm>>
    tpu.enqueue_indirect_dma source(%dma_start3A_63 : memref<100000x32xf32, #tpu.memory_space<hbm>>) target(%dma_start3A_57 : memref<128x32xf32, #tpu.memory_space<vmem>>) offsets(%dma_start3A_60 : memref<128xi32, #tpu.memory_space<vmem>>) semaphore(%arg15 : memref<!tpu.dma_semaphore, #tpu.memory_space<semaphore_mem>>)
    %dma_start3A_64 = arith.constant 2 : i32
    %dma_start3A_65 = arith.constant 256 : i32
    %dma_start3A_66 = tpu.memref_slice %arg13[%dma_start3A_65] : memref<512xf32, #tpu.memory_space<vmem>> -> memref<128xf32, #tpu.memory_space<vmem>>
    %dma_start3A_67 = arith.constant 0 : i32
    %dma_start3A_68 = tpu.memref_slice %arg10[%dma_start3A_64, %dma_start3A_67] : memref<4x128xi32, #tpu.memory_space<vmem>> -> memref<1x128xi32, #tpu.memory_space<vmem>>
    %dma_start3A_69 = tpu.memref_squeeze %dma_start3A_68 : memref<1x128xi32, #tpu.memory_space<vmem>> -> memref<128xi32, #tpu.memory_space<vmem>>
    %dma_start3A_70 = arith.constant 0 : i32
    %dma_start3A_71 = tpu.memref_slice %arg3[%dma_start3A_70] : memref<1000000xf32, #tpu.memory_space<hbm>> -> memref<1000000xf32, #tpu.memory_space<hbm>>
    tpu.enqueue_indirect_dma source(%dma_start3A_71 : memref<1000000xf32, #tpu.memory_space<hbm>>) target(%dma_start3A_66 : memref<128xf32, #tpu.memory_space<vmem>>) offsets(%dma_start3A_69 : memref<128xi32, #tpu.memory_space<vmem>>) semaphore(%arg15 : memref<!tpu.dma_semaphore, #tpu.memory_space<semaphore_mem>>)
    %dma_start3A_72 = arith.constant 2 : i32
    %dma_start3A_73 = arith.constant 256 : i32
    %dma_start3A_74 = tpu.memref_slice %arg14[%dma_start3A_73] : memref<512xf32, #tpu.memory_space<vmem>> -> memref<128xf32, #tpu.memory_space<vmem>>
    %dma_start3A_75 = arith.constant 0 : i32
    %dma_start3A_76 = tpu.memref_slice %arg11[%dma_start3A_72, %dma_start3A_75] : memref<4x128xi32, #tpu.memory_space<vmem>> -> memref<1x128xi32, #tpu.memory_space<vmem>>
    %dma_start3A_77 = tpu.memref_squeeze %dma_start3A_76 : memref<1x128xi32, #tpu.memory_space<vmem>> -> memref<128xi32, #tpu.memory_space<vmem>>
    %dma_start3A_78 = arith.constant 0 : i32
    %dma_start3A_79 = tpu.memref_slice %arg4[%dma_start3A_78] : memref<100000xf32, #tpu.memory_space<hbm>> -> memref<100000xf32, #tpu.memory_space<hbm>>
    tpu.enqueue_indirect_dma source(%dma_start3A_79 : memref<100000xf32, #tpu.memory_space<hbm>>) target(%dma_start3A_74 : memref<128xf32, #tpu.memory_space<vmem>>) offsets(%dma_start3A_77 : memref<128xi32, #tpu.memory_space<vmem>>) semaphore(%arg15 : memref<!tpu.dma_semaphore, #tpu.memory_space<semaphore_mem>>)
    %dma_start3A_80 = arith.constant 3 : i32
    %dma_start3A_81 = arith.constant 384 : i32
    %dma_start3A_82 = arith.constant 0 : i32
    %dma_start3A_83 = tpu.memref_slice %arg12[%dma_start3A_81, %dma_start3A_82] : memref<512x32xf32, #tpu.memory_space<vmem>> -> memref<128x32xf32, #tpu.memory_space<vmem>>
    %dma_start3A_84 = arith.constant 0 : i32
    %dma_start3A_85 = tpu.memref_slice %arg11[%dma_start3A_80, %dma_start3A_84] : memref<4x128xi32, #tpu.memory_space<vmem>> -> memref<1x128xi32, #tpu.memory_space<vmem>>
    %dma_start3A_86 = tpu.memref_squeeze %dma_start3A_85 : memref<1x128xi32, #tpu.memory_space<vmem>> -> memref<128xi32, #tpu.memory_space<vmem>>
    %dma_start3A_87 = arith.constant 0 : i32
    %dma_start3A_88 = arith.constant 0 : i32
    %dma_start3A_89 = tpu.memref_slice %arg2[%dma_start3A_87, %dma_start3A_88] : memref<100000x32xf32, #tpu.memory_space<hbm>> -> memref<100000x32xf32, #tpu.memory_space<hbm>>
    tpu.enqueue_indirect_dma source(%dma_start3A_89 : memref<100000x32xf32, #tpu.memory_space<hbm>>) target(%dma_start3A_83 : memref<128x32xf32, #tpu.memory_space<vmem>>) offsets(%dma_start3A_86 : memref<128xi32, #tpu.memory_space<vmem>>) semaphore(%arg15 : memref<!tpu.dma_semaphore, #tpu.memory_space<semaphore_mem>>)
    %dma_start3A_90 = arith.constant 3 : i32
    %dma_start3A_91 = arith.constant 384 : i32
    %dma_start3A_92 = tpu.memref_slice %arg13[%dma_start3A_91] : memref<512xf32, #tpu.memory_space<vmem>> -> memref<128xf32, #tpu.memory_space<vmem>>
    %dma_start3A_93 = arith.constant 0 : i32
    %dma_start3A_94 = tpu.memref_slice %arg10[%dma_start3A_90, %dma_start3A_93] : memref<4x128xi32, #tpu.memory_space<vmem>> -> memref<1x128xi32, #tpu.memory_space<vmem>>
    %dma_start3A_95 = tpu.memref_squeeze %dma_start3A_94 : memref<1x128xi32, #tpu.memory_space<vmem>> -> memref<128xi32, #tpu.memory_space<vmem>>
    %dma_start3A_96 = arith.constant 0 : i32
    %dma_start3A_97 = tpu.memref_slice %arg3[%dma_start3A_96] : memref<1000000xf32, #tpu.memory_space<hbm>> -> memref<1000000xf32, #tpu.memory_space<hbm>>
    tpu.enqueue_indirect_dma source(%dma_start3A_97 : memref<1000000xf32, #tpu.memory_space<hbm>>) target(%dma_start3A_92 : memref<128xf32, #tpu.memory_space<vmem>>) offsets(%dma_start3A_95 : memref<128xi32, #tpu.memory_space<vmem>>) semaphore(%arg15 : memref<!tpu.dma_semaphore, #tpu.memory_space<semaphore_mem>>)
    %dma_start3A_98 = arith.constant 3 : i32
    %dma_start3A_99 = arith.constant 384 : i32
    %dma_start3A_100 = tpu.memref_slice %arg14[%dma_start3A_99] : memref<512xf32, #tpu.memory_space<vmem>> -> memref<128xf32, #tpu.memory_space<vmem>>
    %dma_start3A_101 = arith.constant 0 : i32
    %dma_start3A_102 = tpu.memref_slice %arg11[%dma_start3A_98, %dma_start3A_101] : memref<4x128xi32, #tpu.memory_space<vmem>> -> memref<1x128xi32, #tpu.memory_space<vmem>>
    %dma_start3A_103 = tpu.memref_squeeze %dma_start3A_102 : memref<1x128xi32, #tpu.memory_space<vmem>> -> memref<128xi32, #tpu.memory_space<vmem>>
    %dma_start3A_104 = arith.constant 0 : i32
    %dma_start3A_105 = tpu.memref_slice %arg4[%dma_start3A_104] : memref<100000xf32, #tpu.memory_space<hbm>> -> memref<100000xf32, #tpu.memory_space<hbm>>
    tpu.enqueue_indirect_dma source(%dma_start3A_105 : memref<100000xf32, #tpu.memory_space<hbm>>) target(%dma_start3A_100 : memref<128xf32, #tpu.memory_space<vmem>>) offsets(%dma_start3A_103 : memref<128xi32, #tpu.memory_space<vmem>>) semaphore(%arg15 : memref<!tpu.dma_semaphore, #tpu.memory_space<semaphore_mem>>)
    %dma_wait3A = arith.constant 0 : i32
    %dma_wait3A_106 = arith.constant 0 : i32
    %dma_wait3A_107 = arith.constant 0 : i32
    %dma_wait3A_108 = tpu.memref_slice %arg12[%dma_wait3A_106, %dma_wait3A_107] : memref<512x32xf32, #tpu.memory_space<vmem>> -> memref<128x32xf32, #tpu.memory_space<vmem>>
    %dma_wait3A_109 = arith.constant 0 : i32
    %dma_wait3A_110 = tpu.memref_slice %arg11[%dma_wait3A, %dma_wait3A_109] : memref<4x128xi32, #tpu.memory_space<vmem>> -> memref<1x128xi32, #tpu.memory_space<vmem>>
    %dma_wait3A_111 = tpu.memref_squeeze %dma_wait3A_110 : memref<1x128xi32, #tpu.memory_space<vmem>> -> memref<128xi32, #tpu.memory_space<vmem>>
    %dma_wait3A_112 = arith.constant 0 : i32
    %dma_wait3A_113 = arith.constant 0 : i32
    %dma_wait3A_114 = tpu.memref_slice %arg2[%dma_wait3A_112, %dma_wait3A_113] : memref<100000x32xf32, #tpu.memory_space<hbm>> -> memref<100000x32xf32, #tpu.memory_space<hbm>>
    tpu.wait_indirect_dma semaphore(%arg15 : memref<!tpu.dma_semaphore, #tpu.memory_space<semaphore_mem>>) src(%dma_wait3A_114 : memref<100000x32xf32, #tpu.memory_space<hbm>>) dst(%dma_wait3A_108 : memref<128x32xf32, #tpu.memory_space<vmem>>)
    %dma_wait3A_115 = arith.constant 0 : i32
    %dma_wait3A_116 = arith.constant 0 : i32
    %dma_wait3A_117 = tpu.memref_slice %arg13[%dma_wait3A_116] : memref<512xf32, #tpu.memory_space<vmem>> -> memref<128xf32, #tpu.memory_space<vmem>>
    %dma_wait3A_118 = arith.constant 0 : i32
    %dma_wait3A_119 = tpu.memref_slice %arg10[%dma_wait3A_115, %dma_wait3A_118] : memref<4x128xi32, #tpu.memory_space<vmem>> -> memref<1x128xi32, #tpu.memory_space<vmem>>
    %dma_wait3A_120 = tpu.memref_squeeze %dma_wait3A_119 : memref<1x128xi32, #tpu.memory_space<vmem>> -> memref<128xi32, #tpu.memory_space<vmem>>
    %dma_wait3A_121 = arith.constant 0 : i32
    %dma_wait3A_122 = tpu.memref_slice %arg3[%dma_wait3A_121] : memref<1000000xf32, #tpu.memory_space<hbm>> -> memref<1000000xf32, #tpu.memory_space<hbm>>
    tpu.wait_indirect_dma semaphore(%arg15 : memref<!tpu.dma_semaphore, #tpu.memory_space<semaphore_mem>>) src(%dma_wait3A_122 : memref<1000000xf32, #tpu.memory_space<hbm>>) dst(%dma_wait3A_117 : memref<128xf32, #tpu.memory_space<vmem>>)
    %dma_wait3A_123 = arith.constant 0 : i32
    %dma_wait3A_124 = arith.constant 0 : i32
    %dma_wait3A_125 = tpu.memref_slice %arg14[%dma_wait3A_124] : memref<512xf32, #tpu.memory_space<vmem>> -> memref<128xf32, #tpu.memory_space<vmem>>
    %dma_wait3A_126 = arith.constant 0 : i32
    %dma_wait3A_127 = tpu.memref_slice %arg11[%dma_wait3A_123, %dma_wait3A_126] : memref<4x128xi32, #tpu.memory_space<vmem>> -> memref<1x128xi32, #tpu.memory_space<vmem>>
    %dma_wait3A_128 = tpu.memref_squeeze %dma_wait3A_127 : memref<1x128xi32, #tpu.memory_space<vmem>> -> memref<128xi32, #tpu.memory_space<vmem>>
    %dma_wait3A_129 = arith.constant 0 : i32
    %dma_wait3A_130 = tpu.memref_slice %arg4[%dma_wait3A_129] : memref<100000xf32, #tpu.memory_space<hbm>> -> memref<100000xf32, #tpu.memory_space<hbm>>
    tpu.wait_indirect_dma semaphore(%arg15 : memref<!tpu.dma_semaphore, #tpu.memory_space<semaphore_mem>>) src(%dma_wait3A_130 : memref<100000xf32, #tpu.memory_space<hbm>>) dst(%dma_wait3A_125 : memref<128xf32, #tpu.memory_space<vmem>>)
    %dma_wait3A_131 = arith.constant 1 : i32
    %dma_wait3A_132 = arith.constant 128 : i32
    %dma_wait3A_133 = arith.constant 0 : i32
    %dma_wait3A_134 = tpu.memref_slice %arg12[%dma_wait3A_132, %dma_wait3A_133] : memref<512x32xf32, #tpu.memory_space<vmem>> -> memref<128x32xf32, #tpu.memory_space<vmem>>
    %dma_wait3A_135 = arith.constant 0 : i32
    %dma_wait3A_136 = tpu.memref_slice %arg11[%dma_wait3A_131, %dma_wait3A_135] : memref<4x128xi32, #tpu.memory_space<vmem>> -> memref<1x128xi32, #tpu.memory_space<vmem>>
    %dma_wait3A_137 = tpu.memref_squeeze %dma_wait3A_136 : memref<1x128xi32, #tpu.memory_space<vmem>> -> memref<128xi32, #tpu.memory_space<vmem>>
    %dma_wait3A_138 = arith.constant 0 : i32
    %dma_wait3A_139 = arith.constant 0 : i32
    %dma_wait3A_140 = tpu.memref_slice %arg2[%dma_wait3A_138, %dma_wait3A_139] : memref<100000x32xf32, #tpu.memory_space<hbm>> -> memref<100000x32xf32, #tpu.memory_space<hbm>>
    tpu.wait_indirect_dma semaphore(%arg15 : memref<!tpu.dma_semaphore, #tpu.memory_space<semaphore_mem>>) src(%dma_wait3A_140 : memref<100000x32xf32, #tpu.memory_space<hbm>>) dst(%dma_wait3A_134 : memref<128x32xf32, #tpu.memory_space<vmem>>)
    %dma_wait3A_141 = arith.constant 1 : i32
    %dma_wait3A_142 = arith.constant 128 : i32
    %dma_wait3A_143 = tpu.memref_slice %arg13[%dma_wait3A_142] : memref<512xf32, #tpu.memory_space<vmem>> -> memref<128xf32, #tpu.memory_space<vmem>>
    %dma_wait3A_144 = arith.constant 0 : i32
    %dma_wait3A_145 = tpu.memref_slice %arg10[%dma_wait3A_141, %dma_wait3A_144] : memref<4x128xi32, #tpu.memory_space<vmem>> -> memref<1x128xi32, #tpu.memory_space<vmem>>
    %dma_wait3A_146 = tpu.memref_squeeze %dma_wait3A_145 : memref<1x128xi32, #tpu.memory_space<vmem>> -> memref<128xi32, #tpu.memory_space<vmem>>
    %dma_wait3A_147 = arith.constant 0 : i32
    %dma_wait3A_148 = tpu.memref_slice %arg3[%dma_wait3A_147] : memref<1000000xf32, #tpu.memory_space<hbm>> -> memref<1000000xf32, #tpu.memory_space<hbm>>
    tpu.wait_indirect_dma semaphore(%arg15 : memref<!tpu.dma_semaphore, #tpu.memory_space<semaphore_mem>>) src(%dma_wait3A_148 : memref<1000000xf32, #tpu.memory_space<hbm>>) dst(%dma_wait3A_143 : memref<128xf32, #tpu.memory_space<vmem>>)
    %dma_wait3A_149 = arith.constant 1 : i32
    %dma_wait3A_150 = arith.constant 128 : i32
    %dma_wait3A_151 = tpu.memref_slice %arg14[%dma_wait3A_150] : memref<512xf32, #tpu.memory_space<vmem>> -> memref<128xf32, #tpu.memory_space<vmem>>
    %dma_wait3A_152 = arith.constant 0 : i32
    %dma_wait3A_153 = tpu.memref_slice %arg11[%dma_wait3A_149, %dma_wait3A_152] : memref<4x128xi32, #tpu.memory_space<vmem>> -> memref<1x128xi32, #tpu.memory_space<vmem>>
    %dma_wait3A_154 = tpu.memref_squeeze %dma_wait3A_153 : memref<1x128xi32, #tpu.memory_space<vmem>> -> memref<128xi32, #tpu.memory_space<vmem>>
    %dma_wait3A_155 = arith.constant 0 : i32
    %dma_wait3A_156 = tpu.memref_slice %arg4[%dma_wait3A_155] : memref<100000xf32, #tpu.memory_space<hbm>> -> memref<100000xf32, #tpu.memory_space<hbm>>
    tpu.wait_indirect_dma semaphore(%arg15 : memref<!tpu.dma_semaphore, #tpu.memory_space<semaphore_mem>>) src(%dma_wait3A_156 : memref<100000xf32, #tpu.memory_space<hbm>>) dst(%dma_wait3A_151 : memref<128xf32, #tpu.memory_space<vmem>>)
    %dma_wait3A_157 = arith.constant 2 : i32
    %dma_wait3A_158 = arith.constant 256 : i32
    %dma_wait3A_159 = arith.constant 0 : i32
    %dma_wait3A_160 = tpu.memref_slice %arg12[%dma_wait3A_158, %dma_wait3A_159] : memref<512x32xf32, #tpu.memory_space<vmem>> -> memref<128x32xf32, #tpu.memory_space<vmem>>
    %dma_wait3A_161 = arith.constant 0 : i32
    %dma_wait3A_162 = tpu.memref_slice %arg11[%dma_wait3A_157, %dma_wait3A_161] : memref<4x128xi32, #tpu.memory_space<vmem>> -> memref<1x128xi32, #tpu.memory_space<vmem>>
    %dma_wait3A_163 = tpu.memref_squeeze %dma_wait3A_162 : memref<1x128xi32, #tpu.memory_space<vmem>> -> memref<128xi32, #tpu.memory_space<vmem>>
    %dma_wait3A_164 = arith.constant 0 : i32
    %dma_wait3A_165 = arith.constant 0 : i32
    %dma_wait3A_166 = tpu.memref_slice %arg2[%dma_wait3A_164, %dma_wait3A_165] : memref<100000x32xf32, #tpu.memory_space<hbm>> -> memref<100000x32xf32, #tpu.memory_space<hbm>>
    tpu.wait_indirect_dma semaphore(%arg15 : memref<!tpu.dma_semaphore, #tpu.memory_space<semaphore_mem>>) src(%dma_wait3A_166 : memref<100000x32xf32, #tpu.memory_space<hbm>>) dst(%dma_wait3A_160 : memref<128x32xf32, #tpu.memory_space<vmem>>)
    %dma_wait3A_167 = arith.constant 2 : i32
    %dma_wait3A_168 = arith.constant 256 : i32
    %dma_wait3A_169 = tpu.memref_slice %arg13[%dma_wait3A_168] : memref<512xf32, #tpu.memory_space<vmem>> -> memref<128xf32, #tpu.memory_space<vmem>>
    %dma_wait3A_170 = arith.constant 0 : i32
    %dma_wait3A_171 = tpu.memref_slice %arg10[%dma_wait3A_167, %dma_wait3A_170] : memref<4x128xi32, #tpu.memory_space<vmem>> -> memref<1x128xi32, #tpu.memory_space<vmem>>
    %dma_wait3A_172 = tpu.memref_squeeze %dma_wait3A_171 : memref<1x128xi32, #tpu.memory_space<vmem>> -> memref<128xi32, #tpu.memory_space<vmem>>
    %dma_wait3A_173 = arith.constant 0 : i32
    %dma_wait3A_174 = tpu.memref_slice %arg3[%dma_wait3A_173] : memref<1000000xf32, #tpu.memory_space<hbm>> -> memref<1000000xf32, #tpu.memory_space<hbm>>
    tpu.wait_indirect_dma semaphore(%arg15 : memref<!tpu.dma_semaphore, #tpu.memory_space<semaphore_mem>>) src(%dma_wait3A_174 : memref<1000000xf32, #tpu.memory_space<hbm>>) dst(%dma_wait3A_169 : memref<128xf32, #tpu.memory_space<vmem>>)
    %dma_wait3A_175 = arith.constant 2 : i32
    %dma_wait3A_176 = arith.constant 256 : i32
    %dma_wait3A_177 = tpu.memref_slice %arg14[%dma_wait3A_176] : memref<512xf32, #tpu.memory_space<vmem>> -> memref<128xf32, #tpu.memory_space<vmem>>
    %dma_wait3A_178 = arith.constant 0 : i32
    %dma_wait3A_179 = tpu.memref_slice %arg11[%dma_wait3A_175, %dma_wait3A_178] : memref<4x128xi32, #tpu.memory_space<vmem>> -> memref<1x128xi32, #tpu.memory_space<vmem>>
    %dma_wait3A_180 = tpu.memref_squeeze %dma_wait3A_179 : memref<1x128xi32, #tpu.memory_space<vmem>> -> memref<128xi32, #tpu.memory_space<vmem>>
    %dma_wait3A_181 = arith.constant 0 : i32
    %dma_wait3A_182 = tpu.memref_slice %arg4[%dma_wait3A_181] : memref<100000xf32, #tpu.memory_space<hbm>> -> memref<100000xf32, #tpu.memory_space<hbm>>
    tpu.wait_indirect_dma semaphore(%arg15 : memref<!tpu.dma_semaphore, #tpu.memory_space<semaphore_mem>>) src(%dma_wait3A_182 : memref<100000xf32, #tpu.memory_space<hbm>>) dst(%dma_wait3A_177 : memref<128xf32, #tpu.memory_space<vmem>>)
    %dma_wait3A_183 = arith.constant 3 : i32
    %dma_wait3A_184 = arith.constant 384 : i32
    %dma_wait3A_185 = arith.constant 0 : i32
    %dma_wait3A_186 = tpu.memref_slice %arg12[%dma_wait3A_184, %dma_wait3A_185] : memref<512x32xf32, #tpu.memory_space<vmem>> -> memref<128x32xf32, #tpu.memory_space<vmem>>
    %dma_wait3A_187 = arith.constant 0 : i32
    %dma_wait3A_188 = tpu.memref_slice %arg11[%dma_wait3A_183, %dma_wait3A_187] : memref<4x128xi32, #tpu.memory_space<vmem>> -> memref<1x128xi32, #tpu.memory_space<vmem>>
    %dma_wait3A_189 = tpu.memref_squeeze %dma_wait3A_188 : memref<1x128xi32, #tpu.memory_space<vmem>> -> memref<128xi32, #tpu.memory_space<vmem>>
    %dma_wait3A_190 = arith.constant 0 : i32
    %dma_wait3A_191 = arith.constant 0 : i32
    %dma_wait3A_192 = tpu.memref_slice %arg2[%dma_wait3A_190, %dma_wait3A_191] : memref<100000x32xf32, #tpu.memory_space<hbm>> -> memref<100000x32xf32, #tpu.memory_space<hbm>>
    tpu.wait_indirect_dma semaphore(%arg15 : memref<!tpu.dma_semaphore, #tpu.memory_space<semaphore_mem>>) src(%dma_wait3A_192 : memref<100000x32xf32, #tpu.memory_space<hbm>>) dst(%dma_wait3A_186 : memref<128x32xf32, #tpu.memory_space<vmem>>)
    %dma_wait3A_193 = arith.constant 3 : i32
    %dma_wait3A_194 = arith.constant 384 : i32
    %dma_wait3A_195 = tpu.memref_slice %arg13[%dma_wait3A_194] : memref<512xf32, #tpu.memory_space<vmem>> -> memref<128xf32, #tpu.memory_space<vmem>>
    %dma_wait3A_196 = arith.constant 0 : i32
    %dma_wait3A_197 = tpu.memref_slice %arg10[%dma_wait3A_193, %dma_wait3A_196] : memref<4x128xi32, #tpu.memory_space<vmem>> -> memref<1x128xi32, #tpu.memory_space<vmem>>
    %dma_wait3A_198 = tpu.memref_squeeze %dma_wait3A_197 : memref<1x128xi32, #tpu.memory_space<vmem>> -> memref<128xi32, #tpu.memory_space<vmem>>
    %dma_wait3A_199 = arith.constant 0 : i32
    %dma_wait3A_200 = tpu.memref_slice %arg3[%dma_wait3A_199] : memref<1000000xf32, #tpu.memory_space<hbm>> -> memref<1000000xf32, #tpu.memory_space<hbm>>
    tpu.wait_indirect_dma semaphore(%arg15 : memref<!tpu.dma_semaphore, #tpu.memory_space<semaphore_mem>>) src(%dma_wait3A_200 : memref<1000000xf32, #tpu.memory_space<hbm>>) dst(%dma_wait3A_195 : memref<128xf32, #tpu.memory_space<vmem>>)
    %dma_wait3A_201 = arith.constant 3 : i32
    %dma_wait3A_202 = arith.constant 384 : i32
    %dma_wait3A_203 = tpu.memref_slice %arg14[%dma_wait3A_202] : memref<512xf32, #tpu.memory_space<vmem>> -> memref<128xf32, #tpu.memory_space<vmem>>
    %dma_wait3A_204 = arith.constant 0 : i32
    %dma_wait3A_205 = tpu.memref_slice %arg11[%dma_wait3A_201, %dma_wait3A_204] : memref<4x128xi32, #tpu.memory_space<vmem>> -> memref<1x128xi32, #tpu.memory_space<vmem>>
    %dma_wait3A_206 = tpu.memref_squeeze %dma_wait3A_205 : memref<1x128xi32, #tpu.memory_space<vmem>> -> memref<128xi32, #tpu.memory_space<vmem>>
    %dma_wait3A_207 = arith.constant 0 : i32
    %dma_wait3A_208 = tpu.memref_slice %arg4[%dma_wait3A_207] : memref<100000xf32, #tpu.memory_space<hbm>> -> memref<100000xf32, #tpu.memory_space<hbm>>
    tpu.wait_indirect_dma semaphore(%arg15 : memref<!tpu.dma_semaphore, #tpu.memory_space<semaphore_mem>>) src(%dma_wait3A_208 : memref<100000xf32, #tpu.memory_space<hbm>>) dst(%dma_wait3A_203 : memref<128xf32, #tpu.memory_space<vmem>>)
    "tpu.region"() ({
      %run_scoped3A = tpu.sem_alloc : memref<!tpu.dma_semaphore, #tpu.memory_space<semaphore_mem>>
      %dma_start3A_209 = arith.constant 0 : i32
      %dma_start3A_210 = tpu.memref_slice %arg7[%mul3A_2, %dma_start3A_209] : memref<16384x32xf32, #tpu.memory_space<hbm>> -> memref<512x32xf32, #tpu.memory_space<hbm>>
      %dma_start3A_211 = arith.constant 0 : i32
      %dma_start3A_212 = tpu.memref_slice %arg7[%mul3A_2, %dma_start3A_211] : memref<16384x32xf32, #tpu.memory_space<hbm>> -> memref<512x32xf32, #tpu.memory_space<hbm>>
      tpu.enqueue_dma source(%arg12 : memref<512x32xf32, #tpu.memory_space<vmem>>) target(%dma_start3A_212 : memref<512x32xf32, #tpu.memory_space<hbm>>) target_semaphore(%run_scoped3A : memref<!tpu.dma_semaphore, #tpu.memory_space<semaphore_mem>>)
      %dma_wait3A_213 = arith.constant 0 : i32
      %dma_wait3A_214 = tpu.memref_slice %arg7[%mul3A_2, %dma_wait3A_213] : memref<16384x32xf32, #tpu.memory_space<hbm>> -> memref<512x32xf32, #tpu.memory_space<hbm>>
      %dma_wait3A_215 = arith.constant 0 : i32
      %dma_wait3A_216 = tpu.memref_slice %arg7[%mul3A_2, %dma_wait3A_215] : memref<16384x32xf32, #tpu.memory_space<hbm>> -> memref<512x32xf32, #tpu.memory_space<hbm>>
      tpu.wait_dma2 semaphore(%run_scoped3A : memref<!tpu.dma_semaphore, #tpu.memory_space<semaphore_mem>>) src(%arg12 : memref<512x32xf32, #tpu.memory_space<vmem>>) dst(%dma_wait3A_216 : memref<512x32xf32, #tpu.memory_space<hbm>>)
      tpu.yield
    }) : () -> ()
    "tpu.region"() ({
      %run_scoped3A = tpu.sem_alloc : memref<!tpu.dma_semaphore, #tpu.memory_space<semaphore_mem>>
      %dma_start3A_209 = tpu.memref_slice %arg8[%mul3A_2] : memref<16384xf32, #tpu.memory_space<hbm>> -> memref<512xf32, #tpu.memory_space<hbm>>
      %dma_start3A_210 = tpu.memref_slice %arg8[%mul3A_2] : memref<16384xf32, #tpu.memory_space<hbm>> -> memref<512xf32, #tpu.memory_space<hbm>>
      tpu.enqueue_dma source(%arg13 : memref<512xf32, #tpu.memory_space<vmem>>) target(%dma_start3A_210 : memref<512xf32, #tpu.memory_space<hbm>>) target_semaphore(%run_scoped3A : memref<!tpu.dma_semaphore, #tpu.memory_space<semaphore_mem>>)
      %dma_wait3A_211 = tpu.memref_slice %arg8[%mul3A_2] : memref<16384xf32, #tpu.memory_space<hbm>> -> memref<512xf32, #tpu.memory_space<hbm>>
      %dma_wait3A_212 = tpu.memref_slice %arg8[%mul3A_2] : memref<16384xf32, #tpu.memory_space<hbm>> -> memref<512xf32, #tpu.memory_space<hbm>>
      tpu.wait_dma2 semaphore(%run_scoped3A : memref<!tpu.dma_semaphore, #tpu.memory_space<semaphore_mem>>) src(%arg13 : memref<512xf32, #tpu.memory_space<vmem>>) dst(%dma_wait3A_212 : memref<512xf32, #tpu.memory_space<hbm>>)
      tpu.yield
    }) : () -> ()
    "tpu.region"() ({
      %run_scoped3A = tpu.sem_alloc : memref<!tpu.dma_semaphore, #tpu.memory_space<semaphore_mem>>
      %dma_start3A_209 = tpu.memref_slice %arg9[%mul3A_2] : memref<16384xf32, #tpu.memory_space<hbm>> -> memref<512xf32, #tpu.memory_space<hbm>>
      %dma_start3A_210 = tpu.memref_slice %arg9[%mul3A_2] : memref<16384xf32, #tpu.memory_space<hbm>> -> memref<512xf32, #tpu.memory_space<hbm>>
      tpu.enqueue_dma source(%arg14 : memref<512xf32, #tpu.memory_space<vmem>>) target(%dma_start3A_210 : memref<512xf32, #tpu.memory_space<hbm>>) target_semaphore(%run_scoped3A : memref<!tpu.dma_semaphore, #tpu.memory_space<semaphore_mem>>)
      %dma_wait3A_211 = tpu.memref_slice %arg9[%mul3A_2] : memref<16384xf32, #tpu.memory_space<hbm>> -> memref<512xf32, #tpu.memory_space<hbm>>
      %dma_wait3A_212 = tpu.memref_slice %arg9[%mul3A_2] : memref<16384xf32, #tpu.memory_space<hbm>> -> memref<512xf32, #tpu.memory_space<hbm>>
      tpu.wait_dma2 semaphore(%run_scoped3A : memref<!tpu.dma_semaphore, #tpu.memory_space<semaphore_mem>>) src(%arg14 : memref<512xf32, #tpu.memory_space<vmem>>) dst(%dma_wait3A_212 : memref<512xf32, #tpu.memory_space<hbm>>)
      tpu.yield
    }) : () -> ()
    return
  }
}

module attributes {stable_mosaic.version = 14 : i64} {
  func.func @_tc_body(%arg0: i32, %arg1: memref<1xf32, #tpu.memory_space<smem>>, %arg2: memref<2048x128xf32, #tpu.memory_space<vmem>>, %arg3: memref<2048x32xf32, #tpu.memory_space<vmem>>, %arg4: memref<2048x26xf32, #tpu.memory_space<vmem>>, %arg5: memref<2048xf32, #tpu.memory_space<vmem>>, %arg6: memref<2048xf32, #tpu.memory_space<vmem>>, %arg7: memref<26x8xf32, #tpu.memory_space<vmem>>, %arg8: memref<8xf32, #tpu.memory_space<vmem>>, %arg9: memref<32x64xf32, #tpu.memory_space<vmem>>, %arg10: memref<32x64xf32, #tpu.memory_space<vmem>>, %arg11: memref<8x64xf32, #tpu.memory_space<vmem>>, %arg12: memref<64xf32, #tpu.memory_space<vmem>>, %arg13: memref<64xf32, #tpu.memory_space<vmem>>, %arg14: memref<2048xf32, #tpu.memory_space<vmem>>) attributes {dimension_semantics = [#tpu.dimension_semantics<arbitrary>], iteration_bounds = array<i64: 8>, scalar_prefetch = 0 : i64, scratch_operands = 0 : i64, tpu.core_type = #tpu.core_type<tc>, window_params = [{transform_indices = @transform_0, window_bounds = array<i64: 1>}, {transform_indices = @transform_1, window_bounds = array<i64: 2048, 128>}, {transform_indices = @transform_2, window_bounds = array<i64: 2048, 32>}, {transform_indices = @transform_3, window_bounds = array<i64: 2048, 26>}, {transform_indices = @transform_4, window_bounds = array<i64: 2048>}, {transform_indices = @transform_5, window_bounds = array<i64: 2048>}, {pipeline_mode = #tpu.pipeline_mode<synchronous>, transform_indices = @transform_6, window_bounds = array<i64: 26, 8>}, {pipeline_mode = #tpu.pipeline_mode<synchronous>, transform_indices = @transform_7, window_bounds = array<i64: 8>}, {pipeline_mode = #tpu.pipeline_mode<synchronous>, transform_indices = @transform_8, window_bounds = array<i64: 32, 64>}, {pipeline_mode = #tpu.pipeline_mode<synchronous>, transform_indices = @transform_9, window_bounds = array<i64: 32, 64>}, {pipeline_mode = #tpu.pipeline_mode<synchronous>, transform_indices = @transform_10, window_bounds = array<i64: 8, 64>}, {pipeline_mode = #tpu.pipeline_mode<synchronous>, transform_indices = @transform_11, window_bounds = array<i64: 64>}, {pipeline_mode = #tpu.pipeline_mode<synchronous>, transform_indices = @transform_12, window_bounds = array<i64: 64>}, {transform_indices = @transform_13, window_bounds = array<i64: 2048>}]} {
    %get3A = arith.constant 0 : index
    %get3A_0 = arith.constant 0 : index
    %get3A_1 = vector.load %arg2[%get3A, %get3A_0] : memref<2048x128xf32, #tpu.memory_space<vmem>>, vector<2048x128xf32>
    %slice3A = vector.extract_strided_slice %get3A_1 {offsets = [0, 0], sizes = [2048, 32], strides = [1, 1]} : vector<2048x128xf32> to vector<2048x32xf32>
    %get3A_2 = arith.constant 0 : index
    %get3A_3 = arith.constant 0 : index
    %get3A_4 = vector.load %arg3[%get3A_2, %get3A_3] : memref<2048x32xf32, #tpu.memory_space<vmem>>, vector<2048x32xf32>
    %get3A_5 = arith.constant 0 : index
    %get3A_6 = arith.constant 0 : index
    %get3A_7 = vector.load %arg4[%get3A_5, %get3A_6] : memref<2048x26xf32, #tpu.memory_space<vmem>>, vector<2048x26xf32>
    %get3A_8 = arith.constant 0 : index
    %get3A_9 = arith.constant 0 : index
    %get3A_10 = vector.load %arg7[%get3A_8, %get3A_9] : memref<26x8xf32, #tpu.memory_space<vmem>>, vector<26x8xf32>
    %dot_general3A = arith.constant dense<0.000000e+00> : vector<2048x8xf32>
    %dot_general3A_11 = tpu.matmul %get3A_7, %get3A_10, %dot_general3A {dimension_numbers = #tpu.dot_dimension_numbers<[1], [0], [0], [1], [0, 0, 1, 1], [], []>, transpose_lhs_hint = false} : vector<2048x26xf32>, vector<26x8xf32>, vector<2048x8xf32> -> vector<2048x8xf32>
    %get3A_12 = arith.constant 0 : index
    %get3A_13 = vector.load %arg8[%get3A_12] : memref<8xf32, #tpu.memory_space<vmem>>, vector<8xf32>
    %broadcast_in_dim3A = vector.shape_cast %get3A_13 : vector<8xf32> to vector<1x8xf32>
    %add3A = vector.broadcast %broadcast_in_dim3A : vector<1x8xf32> to vector<2048x8xf32>
    %add3A_14 = arith.addf %dot_general3A_11, %add3A : vector<2048x8xf32>
    %max3A = arith.constant 0.000000e+00 : f32
    %max3A_15 = vector.broadcast %max3A : f32 to vector<2048x8xf32>
    %max3A_16 = arith.maximumf %add3A_14, %max3A_15 : vector<2048x8xf32>
    %get3A_17 = arith.constant 0 : index
    %get3A_18 = arith.constant 0 : index
    %get3A_19 = vector.load %arg9[%get3A_17, %get3A_18] : memref<32x64xf32, #tpu.memory_space<vmem>>, vector<32x64xf32>
    %dot_general3A_20 = arith.constant dense<0.000000e+00> : vector<2048x64xf32>
    %dot_general3A_21 = tpu.matmul %slice3A, %get3A_19, %dot_general3A_20 {dimension_numbers = #tpu.dot_dimension_numbers<[1], [0], [0], [1], [0, 0, 1, 1], [], []>, transpose_lhs_hint = false} : vector<2048x32xf32>, vector<32x64xf32>, vector<2048x64xf32> -> vector<2048x64xf32>
    %get3A_22 = arith.constant 0 : index
    %get3A_23 = arith.constant 0 : index
    %get3A_24 = vector.load %arg10[%get3A_22, %get3A_23] : memref<32x64xf32, #tpu.memory_space<vmem>>, vector<32x64xf32>
    %dot_general3A_25 = arith.constant dense<0.000000e+00> : vector<2048x64xf32>
    %dot_general3A_26 = tpu.matmul %get3A_4, %get3A_24, %dot_general3A_25 {dimension_numbers = #tpu.dot_dimension_numbers<[1], [0], [0], [1], [0, 0, 1, 1], [], []>, transpose_lhs_hint = false} : vector<2048x32xf32>, vector<32x64xf32>, vector<2048x64xf32> -> vector<2048x64xf32>
    %add3A_27 = arith.addf %dot_general3A_21, %dot_general3A_26 : vector<2048x64xf32>
    %get3A_28 = arith.constant 0 : index
    %get3A_29 = arith.constant 0 : index
    %get3A_30 = vector.load %arg11[%get3A_28, %get3A_29] : memref<8x64xf32, #tpu.memory_space<vmem>>, vector<8x64xf32>
    %dot_general3A_31 = arith.constant dense<0.000000e+00> : vector<2048x64xf32>
    %dot_general3A_32 = tpu.matmul %max3A_16, %get3A_30, %dot_general3A_31 {dimension_numbers = #tpu.dot_dimension_numbers<[1], [0], [0], [1], [0, 0, 1, 1], [], []>, transpose_lhs_hint = false} : vector<2048x8xf32>, vector<8x64xf32>, vector<2048x64xf32> -> vector<2048x64xf32>
    %add3A_33 = arith.addf %add3A_27, %dot_general3A_32 : vector<2048x64xf32>
    %get3A_34 = arith.constant 0 : index
    %get3A_35 = vector.load %arg12[%get3A_34] : memref<64xf32, #tpu.memory_space<vmem>>, vector<64xf32>
    %broadcast_in_dim3A_36 = vector.shape_cast %get3A_35 : vector<64xf32> to vector<1x64xf32>
    %add3A_37 = vector.broadcast %broadcast_in_dim3A_36 : vector<1x64xf32> to vector<2048x64xf32>
    %add3A_38 = arith.addf %add3A_33, %add3A_37 : vector<2048x64xf32>
    %max3A_39 = arith.constant 0.000000e+00 : f32
    %max3A_40 = vector.broadcast %max3A_39 : f32 to vector<2048x64xf32>
    %max3A_41 = arith.maximumf %add3A_38, %max3A_40 : vector<2048x64xf32>
    %get3A_42 = arith.constant 0 : index
    %get3A_43 = vector.load %arg13[%get3A_42] : memref<64xf32, #tpu.memory_space<vmem>>, vector<64xf32>
    %broadcast_in_dim3A_44 = vector.shape_cast %get3A_43 : vector<64xf32> to vector<1x64xf32>
    %mul3A = vector.broadcast %broadcast_in_dim3A_44 : vector<1x64xf32> to vector<2048x64xf32>
    %mul3A_45 = arith.mulf %max3A_41, %mul3A : vector<2048x64xf32>
    %reduce_sum3A = arith.constant dense<0.000000e+00> : vector<2048xf32>
    %reduce_sum3A_46 = vector.multi_reduction <add>, %mul3A_45, %reduce_sum3A [1] : vector<2048x64xf32> to vector<2048xf32>
    %mul3A_47 = arith.mulf %slice3A, %get3A_4 : vector<2048x32xf32>
    %reduce_sum3A_48 = arith.constant dense<0.000000e+00> : vector<2048xf32>
    %reduce_sum3A_49 = vector.multi_reduction <add>, %mul3A_47, %reduce_sum3A_48 [1] : vector<2048x32xf32> to vector<2048xf32>
    %add3A_50 = arith.addf %reduce_sum3A_49, %reduce_sum3A_46 : vector<2048xf32>
    %get3A_51 = arith.constant 0 : index
    %get3A_52 = vector.load %arg5[%get3A_51] : memref<2048xf32, #tpu.memory_space<vmem>>, vector<2048xf32>
    %add3A_53 = arith.addf %add3A_50, %get3A_52 : vector<2048xf32>
    %get3A_54 = arith.constant 0 : index
    %get3A_55 = vector.load %arg6[%get3A_54] : memref<2048xf32, #tpu.memory_space<vmem>>, vector<2048xf32>
    %add3A_56 = arith.addf %add3A_53, %get3A_55 : vector<2048xf32>
    %get3A_57 = arith.constant 0 : index
    %get3A_58 = memref.load %arg1[%get3A_57] : memref<1xf32, #tpu.memory_space<smem>>
    %add3A_59 = vector.broadcast %get3A_58 : f32 to vector<2048xf32>
    %add3A_60 = arith.addf %add3A_56, %add3A_59 : vector<2048xf32>
    %swap3A = arith.constant 0 : index
    %swap3A_61 = vector.load %arg14[%swap3A] : memref<2048xf32, #tpu.memory_space<vmem>>, vector<2048xf32>
    tpu.vector_store %arg14[%swap3A], %add3A_60 {strides = array<i32>} : memref<2048xf32, #tpu.memory_space<vmem>>, vector<2048xf32>,
    return
  }
  func.func @transform_0(%arg0: i32) -> i32 {
    %c0_i32 = arith.constant 0 : i32
    %c0_i32_0 = arith.constant 0 : i32
    return %c0_i32 : i32
  }
  func.func @transform_1(%arg0: i32) -> (i32, i32) {
    %c0_i32 = arith.constant 0 : i32
    %c0_i32_0 = arith.constant 0 : i32
    return %arg0, %c0_i32 : i32, i32
  }
  func.func @transform_2(%arg0: i32) -> (i32, i32) {
    %c0_i32 = arith.constant 0 : i32
    %c0_i32_0 = arith.constant 0 : i32
    return %arg0, %c0_i32 : i32, i32
  }
  func.func @transform_3(%arg0: i32) -> (i32, i32) {
    %c0_i32 = arith.constant 0 : i32
    %c0_i32_0 = arith.constant 0 : i32
    return %arg0, %c0_i32 : i32, i32
  }
  func.func @transform_4(%arg0: i32) -> i32 {
    %c0_i32 = arith.constant 0 : i32
    return %arg0 : i32
  }
  func.func @transform_5(%arg0: i32) -> i32 {
    %c0_i32 = arith.constant 0 : i32
    return %arg0 : i32
  }
  func.func @transform_6(%arg0: i32) -> (i32, i32) {
    %c0_i32 = arith.constant 0 : i32
    %c0_i32_0 = arith.constant 0 : i32
    %c0_i32_1 = arith.constant 0 : i32
    return %c0_i32, %c0_i32_0 : i32, i32
  }
  func.func @transform_7(%arg0: i32) -> i32 {
    %c0_i32 = arith.constant 0 : i32
    %c0_i32_0 = arith.constant 0 : i32
    return %c0_i32 : i32
  }
  func.func @transform_8(%arg0: i32) -> (i32, i32) {
    %c0_i32 = arith.constant 0 : i32
    %c0_i32_0 = arith.constant 0 : i32
    %c0_i32_1 = arith.constant 0 : i32
    return %c0_i32, %c0_i32_0 : i32, i32
  }
  func.func @transform_9(%arg0: i32) -> (i32, i32) {
    %c0_i32 = arith.constant 0 : i32
    %c0_i32_0 = arith.constant 0 : i32
    %c0_i32_1 = arith.constant 0 : i32
    return %c0_i32, %c0_i32_0 : i32, i32
  }
  func.func @transform_10(%arg0: i32) -> (i32, i32) {
    %c0_i32 = arith.constant 0 : i32
    %c0_i32_0 = arith.constant 0 : i32
    %c0_i32_1 = arith.constant 0 : i32
    return %c0_i32, %c0_i32_0 : i32, i32
  }
  func.func @transform_11(%arg0: i32) -> i32 {
    %c0_i32 = arith.constant 0 : i32
    %c0_i32_0 = arith.constant 0 : i32
    return %c0_i32 : i32
  }
  func.func @transform_12(%arg0: i32) -> i32 {
    %c0_i32 = arith.constant 0 : i32
    %c0_i32_0 = arith.constant 0 : i32
    return %c0_i32 : i32
  }
  func.func @transform_13(%arg0: i32) -> i32 {
    %c0_i32 = arith.constant 0 : i32
    return %arg0 : i32
  }
}

</mosaic_0001>

<sc_bundles>
// kernel: kernel.5.cloned.1.call-start
scs
__scs_entry_jumppad:
0x0: {  	(pc) =	sbr.rel $0x88, $3  }
0x1: {  	(tag) =	ssettag $0x0;
	lr =	simm.s32 $0x1  }
0x2: {  	[smem:$0x3F93] =	sst lr;
	_ =	strace $0xD0000000  }
0x3: {  	_ = 	snop  }
0x4: {  	_ = 	snop  }
0x5: {  	_ = 	snop  }
0x6: {  	_ = 	snop  }
0x7: {  	_ = 	snop  }
__scs_overlays_trampoline_lowered:
0x8: {  	[smem:$0x3FA2] =	sst s0  }
0x9: {  	[smem:$0x3FA3] =	sst s1  }
0xa: {  	[smem:$0x3FA4] =	sst s2  }
0xb: {  	[smem:$0x3FA5] =	sst s3  }
0xc: {  	[smem:$0x3FA6] =	sst s4  }
0xd: {  	[smem:$0x3FA7] =	sst s5  }
0xe: {  	[smem:$0x3FA8] =	sst s6  }
0xf: {  	[smem:$0x3FA9] =	sst s7  }
0x10: {  	[smem:$0x3FAA] =	sst s8  }
0x11: {  	[smem:$0x3FAB] =	sst s9;
	s0 =	simm.s32 @!p0 $0x0  }
0x12: {  	s1 =	sld [smem:$0x3F91];
	s0 =	simm.s32 @p0 $0x1  }
0x13: {  	[smem:$0x3FAC] =	sst s0;
	s0 =	simm.s32 @!p1 $0x0  }
0x14: {  	s2 =	sld [smem:$0x3F90];
	s0 =	simm.s32 @p1 $0x1  }
0x15: {  	[smem:$0x3FAD] =	sst s0;
	s0 =	simm.s32 @!p2 $0x0  }
0x16: {  	s3 =	sld [smem:$0x3FDB];
	s0 =	simm.s32 @p2 $0x1  }
0x17: {  	s4 =	simm.s32 $0x1BF5;
	[smem:$0x3FAF] =	sst s0  }
0x18: {  	s0 =	sld [smem:$0x3F92];
	_ =	swait.ge [sflag:s4], $0x0  }
0x19: {  	s7 =	sld [smem:$0x3F93]  }
0x1a: {  	s8 =	sadd.s32 $0xFFFFE003, lr  }
0x1b: {  	s9 =	sadd.s32 $0xFFFFFEF7, lr;
	s5 =	simm.s32 $0xFFFFFFFF;
	p2 =	slt.u32 s8, $0xFFFFF086  }
0x1c: {  	p1 =	slt.u32 s9, $0xF7A;
	s5 =	simm.s32 @!p2 $0x0  }
0x1d: {  	s5 =	simm.s32 @p1 $0x1;
	p0 =	seq.s32 s7, s2  }
0x1e: {  	s7 =	smul.u32 @!p0 $0xF7A, s2;
	p2 =	seq.s32 @!p0 s5, $0x0  }
0x1f: {  	s9 =	smul.u32 $0xF7A, s1;
	s8 =	simm.s32 @!p0 $0x1BF5;
	p2 =	por !p2, p0  }
0x20: {  	[sflag:s8] =	ssyncset.s32 @!p0 $0xFFFFF086;
	s6 =	sadd.s32 @!p0 s3, s7;
	s7 =	simm.s32 @!p0 $0x108  }
0x21: {  	s3 =	sadd.s32 s3, s9;
	s6 =	sadd.s32 @!p0 $0x88, s6;
	s7 =	simm.s32 @p2 $0x1082  }
0x22: {  	[simem:s7], [sflag:s8] =	dma.local @!p0 [hbm:s6], $0xF7A  }
0x23: {  	s9 =	sor.u32 $0xD0000000, s2;
	s6 =	simm.s32 $0x108;
	_ =	swait.ge @!p0 [sflag:s8], $0x0  }
0x24: {  	s3 =	sadd.s32 $0x88, s3;
	s6 =	simm.s32 @!p1 $0x1082;
	[sflag:s4] =	ssyncset.s32 $0xFFFFF086  }
0x25: {  	[simem:s6], [sflag:s4] =	dma.local [hbm:s3], $0xF7A  }
0x26: {  	[smem:$0x3F93] =	sst s1;
	(tag) =	ssettag s2;
	_ =	strace s9  }
0x27: {  	s1 =	sld [smem:$0x3FA3]  }
0x28: {  	s2 =	sld [smem:$0x3FA4]  }
0x29: {  	s4 =	sld [smem:$0x3FA6]  }
0x2a: {  	p0 =	seq.s32 s5, $0x0;
	s5 =	sld [smem:$0x3FA7]  }
0x2b: {  	s6 =	sld [smem:$0x3FA8]  }
0x2c: {  	s7 =	sld [smem:$0x3FA9]  }
0x2d: {  	s3 =	simm.s32 $0x108;
	s8 =	sld [smem:$0x3FAA]  }
0x2e: {  	s3 =	simm.s32 @!p0 $0x1082;
	s9 =	sld [smem:$0x3FAB]  }
0x2f: {  	lr =	sadd.s32 s0, s3;
	s0 =	sld [smem:$0x3FA2]  }
0x30: {  	s3 =	sld [smem:$0x3FA5]  }
0x31: {  	[smem:$0x3FAE] =	sst s10  }
0x32: {  	s10 =	sld [smem:$0x3FAC];
	_ =	sdelay $0x3  }
0x33: {  	p0 =	seq.s32 s10, $0x1;
	s10 =	sld [smem:$0x3FAE];
	_ =	sdelay $0x3  }
0x34: {  	[smem:$0x3FAE] =	sst s10  }
0x35: {  	s10 =	sld [smem:$0x3FAD];
	_ =	sdelay $0x3  }
0x36: {  	p1 =	seq.s32 s10, $0x1;
	s10 =	sld [smem:$0x3FAE];
	_ =	sdelay $0x3  }
0x37: {  	[smem:$0x3FAE] =	sst s10  }
0x38: {  	s10 =	sld [smem:$0x3FAF]  }
0x39: {  	_ = 	snop;
	(pc) =	sbr.ind lr, $3  }
0x3a: {  	_ = 	snop  }
0x3b: {  	_ = 	snop  }
0x3c: {  	p2 =	seq.s32 s10, $0x1;
	s10 =	sld [smem:$0x3FAE]  }
0x3d: {  	_ =	shalt  }
0x3e: {  	_ =	shalt  }
0x3f: {  	_ =	shalt  }
0x40: {  	_ =	shalt  }
0x41: {  	_ =	shalt  }
0x42: {  	_ =	shalt  }
0x43: {  	_ =	shalt  }
0x44: {  	_ =	shalt  }
0x45: {  	_ =	shalt  }
0x46: {  	_ =	shalt  }
0x47: {  	_ =	shalt  }
0x48: {  	_ =	shalt  }
0x49: {  	_ =	shalt  }
0x4a: {  	_ =	shalt  }
0x4b: {  	_ =	shalt  }
0x4c: {  	_ =	shalt  }
0x4d: {  	_ =	shalt  }
0x4e: {  	_ =	shalt  }
0x4f: {  	_ =	shalt  }
0x50: {  	_ =	shalt  }
0x51: {  	_ =	shalt  }
0x52: {  	_ =	shalt  }
0x53: {  	_ =	shalt  }
0x54: {  	_ =	shalt  }
0x55: {  	_ =	shalt  }
0x56: {  	_ =	shalt  }
0x57: {  	_ =	shalt  }
0x58: {  	_ =	shalt  }
0x59: {  	_ =	shalt  }
0x5a: {  	_ =	shalt  }
0x5b: {  	_ =	shalt  }
0x5c: {  	_ =	shalt  }
0x5d: {  	_ =	shalt  }
0x5e: {  	_ =	shalt  }
0x5f: {  	_ =	shalt  }
0x60: {  	_ =	shalt  }
0x61: {  	_ =	shalt  }
0x62: {  	_ =	shalt  }
0x63: {  	_ =	shalt  }
0x64: {  	_ =	shalt  }
0x65: {  	_ =	shalt  }
0x66: {  	_ =	shalt  }
0x67: {  	_ =	shalt  }
0x68: {  	_ =	shalt  }
0x69: {  	_ =	shalt  }
0x6a: {  	_ =	shalt  }
0x6b: {  	_ =	shalt  }
0x6c: {  	_ =	shalt  }
0x6d: {  	_ =	shalt  }
0x6e: {  	_ =	shalt  }
0x6f: {  	_ =	shalt  }
0x70: {  	_ =	shalt  }
0x71: {  	_ =	shalt  }
0x72: {  	_ =	shalt  }
0x73: {  	_ =	shalt  }
0x74: {  	_ =	shalt  }
0x75: {  	_ =	shalt  }
0x76: {  	_ =	shalt  }
0x77: {  	_ =	shalt  }
0x78: {  	_ =	shalt  }
0x79: {  	_ =	shalt  }
0x7a: {  	_ =	shalt  }
0x7b: {  	_ =	shalt  }
0x7c: {  	_ =	shalt  }
0x7d: {  	_ =	shalt  }
0x7e: {  	_ =	shalt  }
0x7f: {  	_ =	shalt  }
0x80: {  	_ =	shalt  }
0x81: {  	_ =	shalt  }
0x82: {  	_ =	shalt  }
0x83: {  	_ =	shalt  }
0x84: {  	_ =	shalt  }
0x85: {  	_ =	shalt  }
0x86: {  	_ =	shalt  }
0x87: {  	_ =	shalt  }
.Lfunc_end0:
.L_simem_size_0:
called_computation_lowered:
.L_overlay_start_0:
0x88: {  	s2 =	sld [smem:$0x3FD9]  }
0x89: {  	s3 =	sld [smem:$0x3FFE];
	_ =	sdelay $0x1  }
0x8a: {  	s1 =	srdreg.scid  }
0x8b: {  	s0 =	sand.u32 $0x1, s1  }
0x8c: {  	s17 =	sshll.u32 s0, $0xA;
	s2 =	sadd.s32 s3, s2  }
0x8d: {  	s2 =	sadd.s32 s2, s17  }
0x8e: {  	[smem:$0x3FBA] =	sst s2  }
0x8f: {  	_ = 	snop  }
0x90: {  	s18 =	sld [smem:$0x3FC9];
	(tm) =	ssettm $0x1  }
0x91: {  	s19 =	sld [smem:$0x3FFB];
	_ =	sdelay $0x3  }
0x92: {  	_ =	strace s19  }
0x93: {  	s2 =	sld [smem:$0x3FFC];
	_ =	sdelay $0x3  }
0x94: {  	_ =	strace s2  }
0x95: {  	s2 =	sld [smem:$0x3FFD];
	_ =	sdelay $0x3  }
0x96: {  	_ =	strace s2  }
0x97: {  	_ =	strace $0x8FFFFFFF  }
0x98: {  	s20 =	sld [smem:$0x3FDB];
	_ =	sdelay $0x1  }
0x99: {  	s4 =	simm.s32 $_scs_section_size  }
0x9a: {  	s5 =	simm.s32 $_size__tile_overlayer_lowered;
	s6 =	simm.s32 $_tile_overlayer_lowered  }
0x9b: {  	s7 =	simm.s32 $0x1BFF;
	s21 =	sshll.u32 s6, $0x1;
	s4 =	sadd.s32 s4, s20  }
0x9c: {  	s22 =	simm.s32 $0x0;
	s5 =	sshll.u32 s5, $0x1;
	s6 =	sadd.s32 s21, s4  }
0x9d: {  	[timem:s22], [sflag:s7] =	dma.local [hbm:s6], s5  }
0x9e: {  	_ =	swait.ge [sflag:s7], s5  }
0x9f: {  	s5 =	ssub.s32 $0x0, s5;
	[sflag:s7] =	ssyncset.done $0x0  }
0xa0: {  	[sflag:s7] =	ssyncadd.s32 s5;
	_ =	sdelay $0x1  }
0xa1: {  	s23 =	simm.s32 $0x1B8B  }
0xa2: {  	_ =	swait.ge [sflag:s23], $0x1  }
0xa3: {  	[sflag:s23] =	ssyncset.done $0x0  }
0xa4: {  	[sflag:s23] =	ssyncadd.s32 $0xFFFFFFFF  }
0xa5: {  	s5 =	sld [smem:$0x0]  }
0xa6: {  	s6 =	sand.u32 $0xFFFFFFFE, s1  }
0xa7: {  	p0 =	sne.s32 s1, s6  }
0xa8: {  	s6 =	sshll.u32 @p0 s6, $0xE  }
0xa9: {  	s6 =	sadd.s32 @p0 $0x11B8D, s6;
	s7 =	sshll.u32 @p0 s5, $0x11  }
0xaa: {  	s6 =	sor.u32 @p0 s7, s6  }
0xab: {  	[sflag:s6] =	ssyncadd.remote.s32 @p0 $0x1;
	_ =	sdelay $0x1  }
0xac: {  	s6 =	simm.s32 @p0 $0x1B8D  }
0xad: {  	_ =	swait.eq @p0 [sflag:s6], $0x1  }
0xae: {  	[sflag:s6] =	ssyncadd.s32 @p0 $0xFFFFFFFF  }
0xaf: {  	s7 =	sshll.u32 @!p0 s1, $0xE  }
0xb0: {  	s7 =	sor.u32 @!p0 $0x4000, s7;
	s6 =	simm.s32 @!p0 $0x1B8D  }
0xb1: {  	s5 =	sshll.u32 @!p0 s5, $0x11;
	s7 =	sadd.s32 @!p0 $0x11B8D, s7;
	_ =	swait.eq @!p0 [sflag:s6], $0x1  }
0xb2: {  	s5 =	sor.u32 @!p0 s5, s7;
	[sflag:s6] =	ssyncadd.s32 @!p0 $0xFFFFFFFF  }
0xb3: {  	s25 =	simm.s32 $0x1B8E;
	s24 =	sld [smem:$0x3FFE];
	[sflag:s5] =	ssyncadd.remote.s32 @!p0 $0x1  }
0xb4: {  	s26 =	simm.s32 $execute0_lowered;
	[smem:$0x3FD2] =	sst s25  }
0xb5: {  	s6 =	sshll.u32 s26, $0x1;
	_ =	strace $0x80000049;
	[dreg:$0x1] =	wrdreg $0xFFFFFFFF  }
0xb6: {  	s28 =	simm.s32 $_size_execute0_lowered;
	s4 =	sadd.s32 s4, s6;
	[dreg:$0x0] =	wrdreg $0x0  }
0xb7: {  	s6 =	sshll.u32 s28, $0x1;
	[dreg:$0x2] =	wrdreg s4  }
0xb8: {  	[dreg:$0x3] =	wrdreg s6  }
0xb9: {  	[dreg:$0x4] =	wrdreg $0xC0  }
0xba: {  	_ =	task [dreg:s22], $0x5FFFF  }
0xbb: {  	[dreg:$0x1] =	wrdreg $0xFFFFFFFF  }
0xbc: {  	[dreg:$0x0] =	wrdreg $0x60  }
0xbd: {  	[dreg:$0x2] =	wrdreg s24  }
0xbe: {  	[dreg:$0x3] =	wrdreg s18  }
0xbf: {  	[dreg:$0x4] =	wrdreg $0x9  }
0xc0: {  	_ =	task.clear_ibuf [dreg:s22], $0x5FFFF;
	_ =	strace $0x90000049  }
0xc1: {  	s29 =	simm.s32 $0x9;
	_ =	strace $0x8000004B  }
0xc2: {  	_ =	swait.ge [sflag:s29], $0x1  }
0xc3: {  	[sflag:s29] =	ssyncadd.s32 $0xFFFFFFFF  }
0xc4: {  	_ =	strace $0x9000004B  }
0xc5: {  	_ =	sfence  }
0xc6: {  	s30 =	sld [smem:$0x0];
	_ =	sdelay $0x2  }
0xc7: {  	s31 =	sshll.u32 s1, $0xD;
	s1 =	sshrl.u32 s1, $0x2  }
0xc8: {  	s4 =	sand.u32 $0x4000, s31;
	s1 =	sadd.s32 s1, s30  }
0xc9: {  	s0 =	sor.u32 s4, s0;
	s1 =	sshll.u32 s1, $0x11  }
0xca: {  	s0 =	sor.u32 s1, s0  }
0xcb: {  	s0 =	sadd.s32 $0x8F2B, s0  }
0xcc: {  	[sflag:s0] =	ssyncadd.remote.s32 $0x1  }
0xcd: {  	_ =	sfence.sel $0xFFFF  }
0xce: {  	[dreg:$0x0] =	wrdreg $0xFFFFFFFF;
	(pc) =	sbr.abs _section_cstart, $3  }
0xcf: {  	[dreg:$0x1] =	wrdreg $0xFFFFFFFF  }
0xd0: {  	_ =	task.clear_ibuf [dreg:s22], $0x2FFFF;
	_ =	strace $0x9FFFFFFF  }
0xd1: {  	(tm) =	ssettm $0x7FFFFFFF  }
tec
execute0_lowered:
.L_overlay_start_1:
0x0: {  	(tag) =	ssettag $0x1  }
0x1: {  	s1 =	srdreg.scid  }
0x2: {  	s9 =	rddreg [dreg:$0x0];
	s0 =	stileid.u32;
	s16 =	sand.u32 $0x1, s1  }
0x3: {  	s3 =	rddreg [dreg:$0x1];
	s4 =	sshll.u32 s0, $0xA;
	s5 =	sshll.u32 s16, $0x9  }
0x4: {  	s2 =	simm.s32 $0x0;
	s1 =	rddreg [dreg:$0x2];
	s10 =	sor.u32 s5, s4  }
0x5: {  	[smem:$0x7FF] =	sst s2;
	s4 =	sshrl.u32 s10, $0x3  }
0x6: {  	_ =	strace $0x8000004A;
	s3 =	sadd.s32 s3, s4;
	s4 =	simm.s32 $0x3  }
0x7: {  	[tilespmem:s2], [sflag:$0x3] =	stream.linear.gather [hbm4b:s3+s2], $0x200, $0x38;
	[tilespmem:$0x8200] =	vst v63  }
0x8: {  	_ =	swait.ge [sflag:s4], $0x200  }
0x9: {  	s6 =	simm.s32 $0x80;
	s7 =	simm.s32 $0x200;
	[sflag:s4] =	ssyncset.done $0x0  }
0xa: {  	s8 =	simm.s32 $0x1;
	s5 =	sadd.s32 $0x112C400, s9;
	[sflag:s4] =	ssyncadd.s32 $0xFFFFFE00  }
0xb: {  	[tilespmem:s7], [sflag:$0x1] =	stream.indirect.gather [hbm4b:s5+s6], $0x80, s2, s6, $0xb8;
	[tilespmem:$0x8200] =	vst v63  }
0xc: {  	s10 =	sshll.u32 s10, $0x4;
	_ =	swait.ge [sflag:s8], $0x4000  }
0xd: {  	s17 =	sadd.s32 s10, s9;
	[sflag:s8] =	ssyncset.done $0x0  }
0xe: {  	s9 =	sadd.s32 $0x33E00, s17;
	[sflag:s8] =	ssyncadd.s32 $0xFFFFC000  }
0xf: {  	[hbm4b:s9+s2] =	stream.linear.scatter [tilespmem:s7], [sflag:$0x2], $0x4000, $0x38;
	[tilespmem:$0x8200] =	vst v63  }
0x10: {  	s10 =	simm.s32 $0x4200  }
0x11: {  	[tilespmem:s10], [sflag:$0x1] =	stream.indirect.gather [hbm4b:s5+s6], $0x80, s6, s6, $0xb8;
	[tilespmem:$0x8200] =	vst v63  }
0x12: {  	_ =	swait.ge [sflag:s8], $0x4000  }
0x13: {  	[sflag:s8] =	ssyncset.done $0x0  }
0x14: {  	s11 =	simm.s32 $0x2;
	s12 =	sadd.s32 $0x34600, s17;
	[sflag:s8] =	ssyncadd.s32 $0xFFFFC000  }
0x15: {  	[hbm4b:s12+s2] =	stream.linear.scatter [tilespmem:s10], [sflag:$0x2], $0x4000, $0x38;
	[tilespmem:$0x8200] =	vst v63  }
0x16: {  	_ =	swait.ge [sflag:s11], $0x4000  }
0x17: {  	[sflag:s11] =	ssyncset.done $0x0  }
0x18: {  	s13 =	simm.s32 $0x100;
	[sflag:s11] =	ssyncadd.s32 $0xFFFFC000  }
0x19: {  	[tilespmem:s7], [sflag:$0x1] =	stream.indirect.gather [hbm4b:s5+s6], $0x80, s13, s6, $0xb8;
	[tilespmem:$0x8200] =	vst v63  }
0x1a: {  	_ =	swait.ge [sflag:s8], $0x4000  }
0x1b: {  	[sflag:s8] =	ssyncset.done $0x0  }
0x1c: {  	s14 =	sadd.s32 $0x34E00, s17;
	[sflag:s8] =	ssyncadd.s32 $0xFFFFC000  }
0x1d: {  	[hbm4b:s14+s2] =	stream.linear.scatter [tilespmem:s7], [sflag:$0x2], $0x4000, $0x38;
	[tilespmem:$0x8200] =	vst v63  }
0x1e: {  	_ =	swait.ge [sflag:s11], $0x4000  }
0x1f: {  	s18 =	ssub.s32 $0x2, s16;
	[sflag:s11] =	ssyncset.done $0x0  }
0x20: {  	s15 =	simm.s32 $0x180;
	s31 =	sshrl.u32 s18, $0x1;
	[sflag:s11] =	ssyncadd.s32 $0xFFFFC000  }
0x21: {  	[tilespmem:s10], [sflag:$0x1] =	stream.indirect.gather [hbm4b:s5+s6], $0x80, s15, s6, $0xb8;
	[tilespmem:$0x8200] =	vst v63  }
0x22: {  	s16 =	sadd.s32 $0x35600, s17;
	s17 =	ssub.s32 s18, s31;
	_ =	swait.ge [sflag:s8], $0x4000  }
0x23: {  	s17 =	smax.u32 s17, $0x1;
	[sflag:s8] =	ssyncset.done $0x0  }
0x24: {  	p0 =	sne.s32 s17, $0x1;
	[sflag:s8] =	ssyncadd.s32 $0xFFFFC000  }
0x25: {  	[hbm4b:s16+s2] =	stream.linear.scatter [tilespmem:s10], [sflag:$0x2], $0x4000, $0x38;
	[tilespmem:$0x8200] =	vst v63  }
.Ltmp0:
0x26: {  	_ =	swait.ge [sflag:s11], $0x4000;
	(pc) =	sbr.rel @!p0 .LBB2_2-.Ltmp0, $4  }
0x27: {  	[sflag:s11] =	ssyncset.done $0x0  }
0x28: {  	[sflag:s11] =	ssyncadd.s32 $0xFFFFC000  }
0x29: {  	_ =	swait.ge [sflag:s11], $0x4000  }
0x2a: {  	s17 =	sadd.s32 $0xFFFFFFFF, s17;
	[sflag:s11] =	ssyncset.done $0x0  }
.LBB2_1:
0x2b: {  	p0 =	sne.s32 s17, $0x1;
	s17 =	sadd.s32 $0xFFFFFFFF, s17;
	[sflag:s11] =	ssyncadd.s32 $0xFFFFC000  }
0x2c: {  	[tilespmem:s2], [sflag:$0x3] =	stream.linear.gather [hbm4b:s3+s2], $0x200, $0x38;
	[tilespmem:$0x8200] =	vst v63  }
0x2d: {  	_ =	swait.ge [sflag:s4], $0x200  }
0x2e: {  	[sflag:s4] =	ssyncset.done $0x0  }
0x2f: {  	[sflag:s4] =	ssyncadd.s32 $0xFFFFFE00  }
0x30: {  	[tilespmem:s7], [sflag:$0x1] =	stream.indirect.gather [hbm4b:s5+s6], $0x80, s2, s6, $0xb8;
	[tilespmem:$0x8200] =	vst v63  }
0x31: {  	_ =	swait.ge [sflag:s8], $0x4000  }
0x32: {  	[sflag:s8] =	ssyncset.done $0x0  }
0x33: {  	[sflag:s8] =	ssyncadd.s32 $0xFFFFC000  }
0x34: {  	[hbm4b:s9+s2] =	stream.linear.scatter [tilespmem:s7], [sflag:$0x2], $0x4000, $0x38;
	[tilespmem:$0x8200] =	vst v63  }
0x35: {  	_ = 	snop  }
0x36: {  	[tilespmem:s10], [sflag:$0x1] =	stream.indirect.gather [hbm4b:s5+s6], $0x80, s6, s6, $0xb8;
	[tilespmem:$0x8200] =	vst v63  }
0x37: {  	_ =	swait.ge [sflag:s8], $0x4000  }
0x38: {  	[sflag:s8] =	ssyncset.done $0x0  }
0x39: {  	[sflag:s8] =	ssyncadd.s32 $0xFFFFC000  }
0x3a: {  	[hbm4b:s12+s2] =	stream.linear.scatter [tilespmem:s10], [sflag:$0x2], $0x4000, $0x38;
	[tilespmem:$0x8200] =	vst v63  }
0x3b: {  	_ =	swait.ge [sflag:s11], $0x4000  }
0x3c: {  	[sflag:s11] =	ssyncset.done $0x0  }
0x3d: {  	[sflag:s11] =	ssyncadd.s32 $0xFFFFC000  }
0x3e: {  	[tilespmem:s7], [sflag:$0x1] =	stream.indirect.gather [hbm4b:s5+s6], $0x80, s13, s6, $0xb8;
	[tilespmem:$0x8200] =	vst v63  }
0x3f: {  	_ =	swait.ge [sflag:s8], $0x4000  }
0x40: {  	[sflag:s8] =	ssyncset.done $0x0  }
0x41: {  	[sflag:s8] =	ssyncadd.s32 $0xFFFFC000  }
0x42: {  	[hbm4b:s14+s2] =	stream.linear.scatter [tilespmem:s7], [sflag:$0x2], $0x4000, $0x38;
	[tilespmem:$0x8200] =	vst v63  }
0x43: {  	_ =	swait.ge [sflag:s11], $0x4000  }
0x44: {  	[sflag:s11] =	ssyncset.done $0x0  }
0x45: {  	[sflag:s11] =	ssyncadd.s32 $0xFFFFC000  }
0x46: {  	[tilespmem:s10], [sflag:$0x1] =	stream.indirect.gather [hbm4b:s5+s6], $0x80, s15, s6, $0xb8;
	[tilespmem:$0x8200] =	vst v63  }
0x47: {  	_ =	swait.ge [sflag:s8], $0x4000  }
0x48: {  	[sflag:s8] =	ssyncset.done $0x0  }
0x49: {  	[sflag:s8] =	ssyncadd.s32 $0xFFFFC000  }
0x4a: {  	[hbm4b:s16+s2] =	stream.linear.scatter [tilespmem:s10], [sflag:$0x2], $0x4000, $0x38;
	[tilespmem:$0x8200] =	vst v63  }
.Ltmp1:
0x4b: {  	_ =	swait.ge [sflag:s11], $0x4000;
	(pc) =	sbr.rel @p0 .LBB2_1-.Ltmp1, $4  }
0x4c: {  	[sflag:s11] =	ssyncset.done $0x0  }
0x4d: {  	[sflag:s11] =	ssyncadd.s32 $0xFFFFC000  }
0x4e: {  	_ =	swait.ge [sflag:s11], $0x4000  }
0x4f: {  	[sflag:s11] =	ssyncset.done $0x0  }
.LBB2_2:
0x50: {  	[sflag:s11] =	ssyncadd.s32 $0xFFFFC000  }
0x51: {  	_ =	sfence.sel $0x180000  }
0x52: {  	[bflag:$0x0] =	sbarrier.arrive $0xFFFF  }
0x53: {  	p0 =	sne.s32 s0, $0x0;
	_ =	strace $0x9000004A  }
0x54: {  	s0 =	sadd.s32 @!p0 $0x100000, s1;
	[bflag:$0x2] =	sbarrier.arrive $0xFFFF  }
0x55: {  	[sflag:s0] =	ssyncadd.tile.s32 @!p0 $0x1;
	_ =	shalt  }
.Lfunc_end2:
_tile_overlayer_lowered:
.L_overlay_start_2:
0x56: {  	(tag) =	ssettag $0x2  }
0x57: {  	s0 =	rddreg [dreg:$0x0];
	s2 =	stileid.u32  }
0x58: {  	s1 =	rddreg [dreg:$0x1];
	p0 =	sne.s32 s2, $0x0  }
0x59: {  	s3 =	rddreg [dreg:$0x2];
	[bflag:$0x3] =	sbarrier.arrive $0xFFFF;
	s2 =	simm.s32 @!p0 $0x1C03  }
0x5a: {  	[timem:s3], [sflag:s2] =	dma.local @!p0 [hbm:s0], s1  }
0x5b: {  	s0 =	simm.s32 @!p0 $0x3  }
0x5c: {  	_ =	swait.ge @!p0 [sflag:s0], s1  }
0x5d: {  	s1 =	ssub.s32 @!p0 $0x0, s1;
	[sflag:s0] =	ssyncset.done @!p0 $0x0  }
0x5e: {  	[sflag:s0] =	ssyncadd.s32 @!p0 s1  }
0x5f: {  	[bflag:$0x3] =	sbarrier.arrive $0xFFFF  }
0x60: {  	_ =	shalt  }

// kernel: kernel.8.cloned.1.call-start
scs
__scs_entry_jumppad:
0x0: {  	(pc) =	sbr.rel $0x88, $3  }
0x1: {  	(tag) =	ssettag $0x0;
	lr =	simm.s32 $0x1  }
0x2: {  	[smem:$0x3F93] =	sst lr;
	_ =	strace $0xD0000000  }
0x3: {  	_ = 	snop  }
0x4: {  	_ = 	snop  }
0x5: {  	_ = 	snop  }
0x6: {  	_ = 	snop  }
0x7: {  	_ = 	snop  }
__scs_overlays_trampoline_lowered:
0x8: {  	[smem:$0x3FA2] =	sst s0  }
0x9: {  	[smem:$0x3FA3] =	sst s1  }
0xa: {  	[smem:$0x3FA4] =	sst s2  }
0xb: {  	[smem:$0x3FA5] =	sst s3  }
0xc: {  	[smem:$0x3FA6] =	sst s4  }
0xd: {  	[smem:$0x3FA7] =	sst s5  }
0xe: {  	[smem:$0x3FA8] =	sst s6  }
0xf: {  	[smem:$0x3FA9] =	sst s7  }
0x10: {  	[smem:$0x3FAA] =	sst s8  }
0x11: {  	[smem:$0x3FAB] =	sst s9;
	s0 =	simm.s32 @!p0 $0x0  }
0x12: {  	s1 =	sld [smem:$0x3F91];
	s0 =	simm.s32 @p0 $0x1  }
0x13: {  	[smem:$0x3FAC] =	sst s0;
	s0 =	simm.s32 @!p1 $0x0  }
0x14: {  	s2 =	sld [smem:$0x3F90];
	s0 =	simm.s32 @p1 $0x1  }
0x15: {  	[smem:$0x3FAD] =	sst s0;
	s0 =	simm.s32 @!p2 $0x0  }
0x16: {  	s3 =	sld [smem:$0x3FDB];
	s0 =	simm.s32 @p2 $0x1  }
0x17: {  	s4 =	simm.s32 $0x1BF5;
	[smem:$0x3FAF] =	sst s0  }
0x18: {  	s0 =	sld [smem:$0x3F92];
	_ =	swait.ge [sflag:s4], $0x0  }
0x19: {  	s7 =	sld [smem:$0x3F93]  }
0x1a: {  	s8 =	sadd.s32 $0xFFFFE003, lr  }
0x1b: {  	s9 =	sadd.s32 $0xFFFFFEF7, lr;
	s5 =	simm.s32 $0xFFFFFFFF;
	p2 =	slt.u32 s8, $0xFFFFF086  }
0x1c: {  	p1 =	slt.u32 s9, $0xF7A;
	s5 =	simm.s32 @!p2 $0x0  }
0x1d: {  	s5 =	simm.s32 @p1 $0x1;
	p0 =	seq.s32 s7, s2  }
0x1e: {  	s7 =	smul.u32 @!p0 $0xF7A, s2;
	p2 =	seq.s32 @!p0 s5, $0x0  }
0x1f: {  	s9 =	smul.u32 $0xF7A, s1;
	s8 =	simm.s32 @!p0 $0x1BF5;
	p2 =	por !p2, p0  }
0x20: {  	[sflag:s8] =	ssyncset.s32 @!p0 $0xFFFFF086;
	s6 =	sadd.s32 @!p0 s3, s7;
	s7 =	simm.s32 @!p0 $0x108  }
0x21: {  	s3 =	sadd.s32 s3, s9;
	s6 =	sadd.s32 @!p0 $0x88, s6;
	s7 =	simm.s32 @p2 $0x1082  }
0x22: {  	[simem:s7], [sflag:s8] =	dma.local @!p0 [hbm:s6], $0xF7A  }
0x23: {  	s9 =	sor.u32 $0xD0000000, s2;
	s6 =	simm.s32 $0x108;
	_ =	swait.ge @!p0 [sflag:s8], $0x0  }
0x24: {  	s3 =	sadd.s32 $0x88, s3;
	s6 =	simm.s32 @!p1 $0x1082;
	[sflag:s4] =	ssyncset.s32 $0xFFFFF086  }
0x25: {  	[simem:s6], [sflag:s4] =	dma.local [hbm:s3], $0xF7A  }
0x26: {  	[smem:$0x3F93] =	sst s1;
	(tag) =	ssettag s2;
	_ =	strace s9  }
0x27: {  	s1 =	sld [smem:$0x3FA3]  }
0x28: {  	s2 =	sld [smem:$0x3FA4]  }
0x29: {  	s4 =	sld [smem:$0x3FA6]  }
0x2a: {  	p0 =	seq.s32 s5, $0x0;
	s5 =	sld [smem:$0x3FA7]  }
0x2b: {  	s6 =	sld [smem:$0x3FA8]  }
0x2c: {  	s7 =	sld [smem:$0x3FA9]  }
0x2d: {  	s3 =	simm.s32 $0x108;
	s8 =	sld [smem:$0x3FAA]  }
0x2e: {  	s3 =	simm.s32 @!p0 $0x1082;
	s9 =	sld [smem:$0x3FAB]  }
0x2f: {  	lr =	sadd.s32 s0, s3;
	s0 =	sld [smem:$0x3FA2]  }
0x30: {  	s3 =	sld [smem:$0x3FA5]  }
0x31: {  	[smem:$0x3FAE] =	sst s10  }
0x32: {  	s10 =	sld [smem:$0x3FAC];
	_ =	sdelay $0x3  }
0x33: {  	p0 =	seq.s32 s10, $0x1;
	s10 =	sld [smem:$0x3FAE];
	_ =	sdelay $0x3  }
0x34: {  	[smem:$0x3FAE] =	sst s10  }
0x35: {  	s10 =	sld [smem:$0x3FAD];
	_ =	sdelay $0x3  }
0x36: {  	p1 =	seq.s32 s10, $0x1;
	s10 =	sld [smem:$0x3FAE];
	_ =	sdelay $0x3  }
0x37: {  	[smem:$0x3FAE] =	sst s10  }
0x38: {  	s10 =	sld [smem:$0x3FAF]  }
0x39: {  	_ = 	snop;
	(pc) =	sbr.ind lr, $3  }
0x3a: {  	_ = 	snop  }
0x3b: {  	_ = 	snop  }
0x3c: {  	p2 =	seq.s32 s10, $0x1;
	s10 =	sld [smem:$0x3FAE]  }
0x3d: {  	_ =	shalt  }
0x3e: {  	_ =	shalt  }
0x3f: {  	_ =	shalt  }
0x40: {  	_ =	shalt  }
0x41: {  	_ =	shalt  }
0x42: {  	_ =	shalt  }
0x43: {  	_ =	shalt  }
0x44: {  	_ =	shalt  }
0x45: {  	_ =	shalt  }
0x46: {  	_ =	shalt  }
0x47: {  	_ =	shalt  }
0x48: {  	_ =	shalt  }
0x49: {  	_ =	shalt  }
0x4a: {  	_ =	shalt  }
0x4b: {  	_ =	shalt  }
0x4c: {  	_ =	shalt  }
0x4d: {  	_ =	shalt  }
0x4e: {  	_ =	shalt  }
0x4f: {  	_ =	shalt  }
0x50: {  	_ =	shalt  }
0x51: {  	_ =	shalt  }
0x52: {  	_ =	shalt  }
0x53: {  	_ =	shalt  }
0x54: {  	_ =	shalt  }
0x55: {  	_ =	shalt  }
0x56: {  	_ =	shalt  }
0x57: {  	_ =	shalt  }
0x58: {  	_ =	shalt  }
0x59: {  	_ =	shalt  }
0x5a: {  	_ =	shalt  }
0x5b: {  	_ =	shalt  }
0x5c: {  	_ =	shalt  }
0x5d: {  	_ =	shalt  }
0x5e: {  	_ =	shalt  }
0x5f: {  	_ =	shalt  }
0x60: {  	_ =	shalt  }
0x61: {  	_ =	shalt  }
0x62: {  	_ =	shalt  }
0x63: {  	_ =	shalt  }
0x64: {  	_ =	shalt  }
0x65: {  	_ =	shalt  }
0x66: {  	_ =	shalt  }
0x67: {  	_ =	shalt  }
0x68: {  	_ =	shalt  }
0x69: {  	_ =	shalt  }
0x6a: {  	_ =	shalt  }
0x6b: {  	_ =	shalt  }
0x6c: {  	_ =	shalt  }
0x6d: {  	_ =	shalt  }
0x6e: {  	_ =	shalt  }
0x6f: {  	_ =	shalt  }
0x70: {  	_ =	shalt  }
0x71: {  	_ =	shalt  }
0x72: {  	_ =	shalt  }
0x73: {  	_ =	shalt  }
0x74: {  	_ =	shalt  }
0x75: {  	_ =	shalt  }
0x76: {  	_ =	shalt  }
0x77: {  	_ =	shalt  }
0x78: {  	_ =	shalt  }
0x79: {  	_ =	shalt  }
0x7a: {  	_ =	shalt  }
0x7b: {  	_ =	shalt  }
0x7c: {  	_ =	shalt  }
0x7d: {  	_ =	shalt  }
0x7e: {  	_ =	shalt  }
0x7f: {  	_ =	shalt  }
0x80: {  	_ =	shalt  }
0x81: {  	_ =	shalt  }
0x82: {  	_ =	shalt  }
0x83: {  	_ =	shalt  }
0x84: {  	_ =	shalt  }
0x85: {  	_ =	shalt  }
0x86: {  	_ =	shalt  }
0x87: {  	_ =	shalt  }
.Lfunc_end0:
.L_simem_size_0:
called_computation.1_lowered:
.L_overlay_start_0:
0x88: {  	s2 =	sld [smem:$0x3FD9]  }
0x89: {  	s3 =	sld [smem:$0x3FFE];
	_ =	sdelay $0x1  }
0x8a: {  	s1 =	srdreg.scid  }
0x8b: {  	s0 =	sand.u32 $0x1, s1  }
0x8c: {  	s17 =	sshll.u32 s0, $0xA;
	s2 =	sadd.s32 s3, s2  }
0x8d: {  	s2 =	sadd.s32 s2, s17  }
0x8e: {  	[smem:$0x3FBA] =	sst s2  }
0x8f: {  	_ = 	snop  }
0x90: {  	s2 =	sld [smem:$0x3FC9]  }
0x91: {  	s18 =	sld [smem:$0x3FC8]  }
0x92: {  	s4 =	sld [smem:$0x3FD0];
	(tm) =	ssettm $0x1  }
0x93: {  	s5 =	sld [smem:$0x3FFB];
	_ =	sdelay $0x3  }
0x94: {  	_ =	strace s5  }
0x95: {  	s5 =	sld [smem:$0x3FFC];
	_ =	sdelay $0x3  }
0x96: {  	_ =	strace s5  }
0x97: {  	s5 =	sld [smem:$0x3FFD];
	_ =	sdelay $0x3  }
0x98: {  	_ =	strace s5  }
0x99: {  	_ =	strace $0x8FFFFFFF  }
0x9a: {  	s19 =	sld [smem:$0x3FDB];
	_ =	sdelay $0x1  }
0x9b: {  	s6 =	simm.s32 $_scs_section_size  }
0x9c: {  	s7 =	simm.s32 $_size__tile_overlayer_lowered;
	s8 =	simm.s32 $_tile_overlayer_lowered  }
0x9d: {  	s22 =	simm.s32 $0x1BFF;
	s21 =	sshll.u32 s8, $0x1;
	s5 =	sadd.s32 s6, s19  }
0x9e: {  	s9 =	simm.s32 $0x0;
	s20 =	sshll.u32 s7, $0x1;
	s7 =	sadd.s32 s21, s5  }
0x9f: {  	[timem:s9], [sflag:s22] =	dma.local [hbm:s7], s20  }
0xa0: {  	_ =	swait.ge [sflag:s22], s20  }
0xa1: {  	s6 =	ssub.s32 $0x0, s20;
	[sflag:s22] =	ssyncset.done $0x0  }
0xa2: {  	[sflag:s22] =	ssyncadd.s32 s6;
	_ =	sdelay $0x1  }
0xa3: {  	s23 =	simm.s32 $0x1B8B  }
0xa4: {  	_ =	swait.ge [sflag:s23], $0x1  }
0xa5: {  	[sflag:s23] =	ssyncset.done $0x0  }
0xa6: {  	s25 =	simm.s32 $0x1B8E;
	s24 =	sld [smem:$0x3FFE];
	[sflag:s23] =	ssyncadd.s32 $0xFFFFFFFF  }
0xa7: {  	s26 =	simm.s32 $execute0_lowered;
	[smem:$0x3FD2] =	sst s25  }
0xa8: {  	s7 =	sshll.u32 s26, $0x1;
	_ =	strace $0x80000046;
	[dreg:$0x1] =	wrdreg $0xFFFFFFFF  }
0xa9: {  	s28 =	simm.s32 $_size_execute0_lowered;
	s5 =	sadd.s32 s5, s7;
	[dreg:$0x0] =	wrdreg $0x0  }
0xaa: {  	s7 =	sshll.u32 s28, $0x1;
	[dreg:$0x2] =	wrdreg s5  }
0xab: {  	[dreg:$0x3] =	wrdreg s7  }
0xac: {  	[dreg:$0x4] =	wrdreg $0xC0  }
0xad: {  	_ =	task [dreg:s9], $0x5FFFF  }
0xae: {  	[dreg:$0x1] =	wrdreg $0xFFFFFFFF  }
0xaf: {  	[dreg:$0x0] =	wrdreg $0x60  }
0xb0: {  	[dreg:$0x2] =	wrdreg s24  }
0xb1: {  	[dreg:$0x3] =	wrdreg s2  }
0xb2: {  	[dreg:$0x4] =	wrdreg s18  }
0xb3: {  	[dreg:$0x5] =	wrdreg s4  }
0xb4: {  	[dreg:$0x6] =	wrdreg $0xA  }
0xb5: {  	_ =	task.clear_ibuf [dreg:s9], $0x7FFFF;
	_ =	strace $0x90000046  }
0xb6: {  	s29 =	simm.s32 $0xA;
	_ =	strace $0x80000048  }
0xb7: {  	_ =	swait.ge [sflag:s29], $0x1  }
0xb8: {  	[sflag:s29] =	ssyncadd.s32 $0xFFFFFFFF  }
0xb9: {  	_ =	strace $0x90000048  }
0xba: {  	_ =	sfence  }
0xbb: {  	s30 =	sld [smem:$0x0];
	_ =	sdelay $0x2  }
0xbc: {  	s31 =	sshll.u32 s1, $0xD;
	s1 =	sshrl.u32 s1, $0x2  }
0xbd: {  	s3 =	sand.u32 $0x4000, s31;
	s1 =	sadd.s32 s1, s30  }
0xbe: {  	s0 =	sor.u32 s3, s0;
	s1 =	sshll.u32 s1, $0x11  }
0xbf: {  	s0 =	sor.u32 s1, s0  }
0xc0: {  	s0 =	sadd.s32 $0x8F2B, s0  }
0xc1: {  	[sflag:s0] =	ssyncadd.remote.s32 $0x1  }
0xc2: {  	_ =	sfence.sel $0xFFFF  }
0xc3: {  	[dreg:$0x0] =	wrdreg $0xFFFFFFFF;
	(pc) =	sbr.abs _section_cstart, $3  }
0xc4: {  	[dreg:$0x1] =	wrdreg $0xFFFFFFFF  }
0xc5: {  	_ =	task.clear_ibuf [dreg:s9], $0x2FFFF;
	_ =	strace $0x9FFFFFFF  }
0xc6: {  	(tm) =	ssettm $0x7FFFFFFF  }
0xc7: {  	_ =	shalt  }
tec
execute0_lowered:
.L_overlay_start_1:
0x0: {  	(tag) =	ssettag $0x1  }
0x1: {  	s0 =	rddreg [dreg:$0x0]  }
0x2: {  	s1 =	rddreg [dreg:$0x1]  }
0x3: {  	s3 =	rddreg [dreg:$0x2]  }
0x4: {  	s4 =	rddreg [dreg:$0x3];
	s2 =	simm.s32 $0x0  }
0x5: {  	s5 =	srdreg.scid;
	s6 =	stileid.u32;
	s16 =	simm.s32 $0x200  }
0x6: {  	s14 =	simm.s32 $0x80;
	s9 =	simm.s32 $0x400;
	s17 =	simm.s32 $0x280  }
0x7: {  	s19 =	simm.s32 $0x1400;
	s20 =	simm.s32 $0x4480;
	s21 =	simm.s32 $0x4680  }
0x8: {  	s18 =	simm.s32 $0x300;
	s22 =	simm.s32 $0x2400;
	s23 =	simm.s32 $0x100  }
0x9: {  	p0 =	por $0x0, $0x0;
	s28 =	simm.s32 $0x3400;
	s29 =	simm.s32 $0x180  }
0xa: {  	s30 =	simm.s32 $0x4580;
	s31 =	simm.s32 $0x4780;
	s5 =	sand.u32 $0x1, s5  }
0xb: {  	s13 =	simm.s32 $0x1;
	s6 =	sshll.u32 s6, $0xA;
	s7 =	sshll.u32 s5, $0x9  }
0xc: {  	[smem:$0x7FF] =	sst s2;
	s5 =	ssub.s32 $0x2, s5;
	s6 =	sor.u32 s7, s6  }
0xd: {  	s10 =	sadd.s32 $0x188400, s0;
	s25 =	sshrl.u32 s5, $0x1;
	s7 =	sshll.u32 s6, $0x2  }
0xe: {  	s11 =	sadd.s32 $0x1A00, s0;
	s24 =	sadd.s32 s7, s0;
	s7 =	ssub.s32 s5, s25  }
0xf: {  	s12 =	sadd.s32 $0x20400, s0;
	s8 =	sshrl.u32 s6, $0x3;
	s26 =	smax.u32 s7, $0x1  }
0x10: {  	_ =	strace $0x80000047;
	s1 =	sadd.s32 s1, s8;
	p1 =	sne.s32 s26, $0x1  }
.Ltmp0:
0x11: {  	s0 =	sadd.s32 s8, s0;
	s15 =	sadd.s32 s3, s8;
	(pc) =	sbr.rel @!p1 .LBB2_3-.Ltmp0, $4  }
0x12: {  	s5 =	sadd.s32 s4, s8;
	s3 =	simm.s32 $0x2;
	s8 =	simm.s32 $0x4400  }
0x13: {  	s25 =	simm.s32 $0x4700;
	[dreg:$0x5] =	wrdreg s1;
	s6 =	sadd.s32 $0x23600, s24  }
0x14: {  	s4 =	sadd.s32 $0x33600, s0;
	s7 =	simm.s32 $0x4600;
	s24 =	simm.s32 $0x4500  }
0x15: {  	s0 =	sadd.s32 $0xFFFFFFFF, s26;
	s26 =	simm.s32 $0x380;
	s1 =	rddreg [dreg:$0x5]  }
0x16: {  	[tilespmem:s2], [sflag:$0x2] =	stream.linear.gather [hbm4b:s1+s2], $0x200, $0x38;
	[tilespmem:$0x4800] =	vst v63  }
0x17: {  	_ =	swait.ge [sflag:s3], $0x200  }
0x18: {  	[sflag:s3] =	ssyncset.done $0x0  }
0x19: {  	[sflag:s3] =	ssyncadd.s32 $0xFFFFFE00  }
0x1a: {  	[tilespmem:s16], [sflag:$0x2] =	stream.linear.gather [hbm4b:s15+s2], $0x200, $0x38;
	[tilespmem:$0x4800] =	vst v63  }
0x1b: {  	_ =	swait.ge [sflag:s3], $0x200  }
0x1c: {  	[sflag:s3] =	ssyncset.done $0x0  }
0x1d: {  	[sflag:s3] =	ssyncadd.s32 $0xFFFFFE00  }
0x1e: {  	[tilespmem:s9], [sflag:$0x1] =	stream.indirect.gather [hbm4b:s10+s14], $0x20, s16, s14, $0xb8;
	[tilespmem:$0x4800] =	vst v63  }
0x1f: {  	_ = 	snop  }
0x20: {  	[tilespmem:s8], [sflag:$0x1] =	stream.indirect.gather [hbm4b:s11+s14], $0x1, s2, s14, $0xb8;
	[tilespmem:$0x4800] =	vst v63  }
0x21: {  	_ = 	snop  }
0x22: {  	[tilespmem:s7], [sflag:$0x1] =	stream.indirect.gather [hbm4b:s12+s14], $0x1, s16, s14, $0xb8;
	[tilespmem:$0x4800] =	vst v63  }
0x23: {  	_ = 	snop  }
0x24: {  	[tilespmem:s19], [sflag:$0x1] =	stream.indirect.gather [hbm4b:s10+s14], $0x20, s17, s14, $0xb8;
	[tilespmem:$0x4800] =	vst v63  }
0x25: {  	_ = 	snop  }
0x26: {  	[tilespmem:s20], [sflag:$0x1] =	stream.indirect.gather [hbm4b:s11+s14], $0x1, s14, s14, $0xb8;
	[tilespmem:$0x4800] =	vst v63  }
0x27: {  	_ = 	snop  }
0x28: {  	[tilespmem:s21], [sflag:$0x1] =	stream.indirect.gather [hbm4b:s12+s14], $0x1, s17, s14, $0xb8;
	[tilespmem:$0x4800] =	vst v63  }
0x29: {  	_ = 	snop  }
0x2a: {  	[tilespmem:s22], [sflag:$0x1] =	stream.indirect.gather [hbm4b:s10+s14], $0x20, s18, s14, $0xb8;
	[tilespmem:$0x4800] =	vst v63  }
0x2b: {  	_ = 	snop  }
0x2c: {  	[tilespmem:s24], [sflag:$0x1] =	stream.indirect.gather [hbm4b:s11+s14], $0x1, s23, s14, $0xb8;
	[tilespmem:$0x4800] =	vst v63  }
0x2d: {  	_ = 	snop  }
0x2e: {  	[tilespmem:s25], [sflag:$0x1] =	stream.indirect.gather [hbm4b:s12+s14], $0x1, s18, s14, $0xb8;
	[tilespmem:$0x4800] =	vst v63  }
0x2f: {  	_ = 	snop  }
0x30: {  	[tilespmem:s28], [sflag:$0x1] =	stream.indirect.gather [hbm4b:s10+s14], $0x20, s26, s14, $0xb8;
	[tilespmem:$0x4800] =	vst v63  }
0x31: {  	_ = 	snop  }
0x32: {  	[tilespmem:s30], [sflag:$0x1] =	stream.indirect.gather [hbm4b:s11+s14], $0x1, s29, s14, $0xb8;
	[tilespmem:$0x4800] =	vst v63  }
0x33: {  	_ = 	snop  }
0x34: {  	[tilespmem:s31], [sflag:$0x1] =	stream.indirect.gather [hbm4b:s12+s14], $0x1, s26, s14, $0xb8;
	[tilespmem:$0x4800] =	vst v63  }
0x35: {  	_ =	swait.ge [sflag:s13], $0x1000  }
0x36: {  	[sflag:s13] =	ssyncset.done $0x0  }
0x37: {  	[sflag:s13] =	ssyncadd.s32 $0xFFFFF000  }
0x38: {  	_ =	swait.ge [sflag:s13], $0x80  }
0x39: {  	[sflag:s13] =	ssyncset.done $0x0  }
0x3a: {  	[sflag:s13] =	ssyncadd.s32 $0xFFFFFF80  }
0x3b: {  	_ =	swait.ge [sflag:s13], $0x80  }
0x3c: {  	[sflag:s13] =	ssyncset.done $0x0  }
0x3d: {  	[sflag:s13] =	ssyncadd.s32 $0xFFFFFF80  }
0x3e: {  	_ =	swait.ge [sflag:s13], $0x1000  }
0x3f: {  	[sflag:s13] =	ssyncset.done $0x0  }
0x40: {  	[sflag:s13] =	ssyncadd.s32 $0xFFFFF000  }
0x41: {  	_ =	swait.ge [sflag:s13], $0x80  }
0x42: {  	[sflag:s13] =	ssyncset.done $0x0  }
0x43: {  	[sflag:s13] =	ssyncadd.s32 $0xFFFFFF80  }
0x44: {  	_ =	swait.ge [sflag:s13], $0x80  }
0x45: {  	[sflag:s13] =	ssyncset.done $0x0  }
0x46: {  	[sflag:s13] =	ssyncadd.s32 $0xFFFFFF80  }
0x47: {  	_ =	swait.ge [sflag:s13], $0x1000  }
0x48: {  	[sflag:s13] =	ssyncset.done $0x0  }
0x49: {  	[sflag:s13] =	ssyncadd.s32 $0xFFFFF000  }
0x4a: {  	_ =	swait.ge [sflag:s13], $0x80  }
0x4b: {  	[sflag:s13] =	ssyncset.done $0x0  }
0x4c: {  	[sflag:s13] =	ssyncadd.s32 $0xFFFFFF80  }
0x4d: {  	_ =	swait.ge [sflag:s13], $0x80  }
0x4e: {  	[sflag:s13] =	ssyncset.done $0x0  }
0x4f: {  	[sflag:s13] =	ssyncadd.s32 $0xFFFFFF80  }
0x50: {  	_ =	swait.ge [sflag:s13], $0x1000  }
0x51: {  	[sflag:s13] =	ssyncset.done $0x0  }
0x52: {  	[sflag:s13] =	ssyncadd.s32 $0xFFFFF000  }
0x53: {  	_ =	swait.ge [sflag:s13], $0x80  }
0x54: {  	[sflag:s13] =	ssyncset.done $0x0  }
0x55: {  	[sflag:s13] =	ssyncadd.s32 $0xFFFFFF80  }
0x56: {  	_ =	swait.ge [sflag:s13], $0x80  }
0x57: {  	[sflag:s13] =	ssyncset.done $0x0  }
0x58: {  	[sflag:s13] =	ssyncadd.s32 $0xFFFFFF80  }
0x59: {  	[hbm4b:s6+s2] =	stream.linear.scatter [tilespmem:s9], [sflag:$0x2], $0x4000, $0x38;
	[tilespmem:$0x4800] =	vst v63  }
0x5a: {  	_ =	swait.ge [sflag:s3], $0x4000  }
0x5b: {  	[sflag:s3] =	ssyncset.done $0x0  }
0x5c: {  	[sflag:s3] =	ssyncadd.s32 $0xFFFFC000  }
0x5d: {  	[hbm4b:s5+s2] =	stream.linear.scatter [tilespmem:s8], [sflag:$0x2], $0x200, $0x38;
	[tilespmem:$0x4800] =	vst v63  }
0x5e: {  	p1 =	sne.s32 s0, $0x1;
	_ =	swait.ge [sflag:s3], $0x200  }
.Ltmp1:
0x5f: {  	[sflag:s3] =	ssyncset.done $0x0;
	(pc) =	sbr.rel @!p1 .LBB2_3-.Ltmp1, $4  }
0x60: {  	[sflag:s3] =	ssyncadd.s32 $0xFFFFFE00  }
0x61: {  	[hbm4b:s4+s2] =	stream.linear.scatter [tilespmem:s7], [sflag:$0x2], $0x200, $0x38;
	[tilespmem:$0x4800] =	vst v63  }
0x62: {  	s0 =	sadd.s32 $0xFFFFFFFF, s0;
	_ =	swait.ge [sflag:s3], $0x200  }
0x63: {  	p0 =	por $0x1, $0x1;
	s1 =	rddreg [dreg:$0x5];
	[sflag:s3] =	ssyncset.done $0x0  }
.LBB2_2:
0x64: {  	[sflag:s3] =	ssyncadd.s32 $0xFFFFFE00  }
0x65: {  	[tilespmem:s2], [sflag:$0x2] =	stream.linear.gather [hbm4b:s1+s2], $0x200, $0x38;
	[tilespmem:$0x4800] =	vst v63  }
0x66: {  	_ =	swait.ge [sflag:s3], $0x200  }
0x67: {  	[sflag:s3] =	ssyncset.done $0x0  }
0x68: {  	[sflag:s3] =	ssyncadd.s32 $0xFFFFFE00  }
0x69: {  	[tilespmem:s16], [sflag:$0x2] =	stream.linear.gather [hbm4b:s15+s2], $0x200, $0x38;
	[tilespmem:$0x4800] =	vst v63  }
0x6a: {  	_ =	swait.ge [sflag:s3], $0x200  }
0x6b: {  	[sflag:s3] =	ssyncset.done $0x0  }
0x6c: {  	[sflag:s3] =	ssyncadd.s32 $0xFFFFFE00  }
0x6d: {  	[tilespmem:s9], [sflag:$0x1] =	stream.indirect.gather [hbm4b:s10+s14], $0x20, s16, s14, $0xb8;
	[tilespmem:$0x4800] =	vst v63  }
0x6e: {  	_ = 	snop  }
0x6f: {  	[tilespmem:s8], [sflag:$0x1] =	stream.indirect.gather [hbm4b:s11+s14], $0x1, s2, s14, $0xb8;
	[tilespmem:$0x4800] =	vst v63  }
0x70: {  	_ = 	snop  }
0x71: {  	[tilespmem:s7], [sflag:$0x1] =	stream.indirect.gather [hbm4b:s12+s14], $0x1, s16, s14, $0xb8;
	[tilespmem:$0x4800] =	vst v63  }
0x72: {  	_ = 	snop  }
0x73: {  	[tilespmem:s19], [sflag:$0x1] =	stream.indirect.gather [hbm4b:s10+s14], $0x20, s17, s14, $0xb8;
	[tilespmem:$0x4800] =	vst v63  }
0x74: {  	_ = 	snop  }
0x75: {  	[tilespmem:s20], [sflag:$0x1] =	stream.indirect.gather [hbm4b:s11+s14], $0x1, s14, s14, $0xb8;
	[tilespmem:$0x4800] =	vst v63  }
0x76: {  	_ = 	snop  }
0x77: {  	[tilespmem:s21], [sflag:$0x1] =	stream.indirect.gather [hbm4b:s12+s14], $0x1, s17, s14, $0xb8;
	[tilespmem:$0x4800] =	vst v63  }
0x78: {  	_ = 	snop  }
0x79: {  	[tilespmem:s22], [sflag:$0x1] =	stream.indirect.gather [hbm4b:s10+s14], $0x20, s18, s14, $0xb8;
	[tilespmem:$0x4800] =	vst v63  }
0x7a: {  	_ = 	snop  }
0x7b: {  	[tilespmem:s24], [sflag:$0x1] =	stream.indirect.gather [hbm4b:s11+s14], $0x1, s23, s14, $0xb8;
	[tilespmem:$0x4800] =	vst v63  }
0x7c: {  	_ = 	snop  }
0x7d: {  	[tilespmem:s25], [sflag:$0x1] =	stream.indirect.gather [hbm4b:s12+s14], $0x1, s18, s14, $0xb8;
	[tilespmem:$0x4800] =	vst v63  }
0x7e: {  	_ = 	snop  }
0x7f: {  	[tilespmem:s28], [sflag:$0x1] =	stream.indirect.gather [hbm4b:s10+s14], $0x20, s26, s14, $0xb8;
	[tilespmem:$0x4800] =	vst v63  }
0x80: {  	_ = 	snop  }
0x81: {  	[tilespmem:s30], [sflag:$0x1] =	stream.indirect.gather [hbm4b:s11+s14], $0x1, s29, s14, $0xb8;
	[tilespmem:$0x4800] =	vst v63  }
0x82: {  	_ = 	snop  }
0x83: {  	[tilespmem:s31], [sflag:$0x1] =	stream.indirect.gather [hbm4b:s12+s14], $0x1, s26, s14, $0xb8;
	[tilespmem:$0x4800] =	vst v63  }
0x84: {  	_ =	swait.ge [sflag:s13], $0x1000  }
0x85: {  	[sflag:s13] =	ssyncset.done $0x0  }
0x86: {  	[sflag:s13] =	ssyncadd.s32 $0xFFFFF000  }
0x87: {  	_ =	swait.ge [sflag:s13], $0x80  }
0x88: {  	[sflag:s13] =	ssyncset.done $0x0  }
0x89: {  	[sflag:s13] =	ssyncadd.s32 $0xFFFFFF80  }
0x8a: {  	_ =	swait.ge [sflag:s13], $0x80  }
0x8b: {  	[sflag:s13] =	ssyncset.done $0x0  }
0x8c: {  	[sflag:s13] =	ssyncadd.s32 $0xFFFFFF80  }
0x8d: {  	_ =	swait.ge [sflag:s13], $0x1000  }
0x8e: {  	[sflag:s13] =	ssyncset.done $0x0  }
0x8f: {  	[sflag:s13] =	ssyncadd.s32 $0xFFFFF000  }
0x90: {  	_ =	swait.ge [sflag:s13], $0x80  }
0x91: {  	[sflag:s13] =	ssyncset.done $0x0  }
0x92: {  	[sflag:s13] =	ssyncadd.s32 $0xFFFFFF80  }
0x93: {  	_ =	swait.ge [sflag:s13], $0x80  }
0x94: {  	[sflag:s13] =	ssyncset.done $0x0  }
0x95: {  	[sflag:s13] =	ssyncadd.s32 $0xFFFFFF80  }
0x96: {  	_ =	swait.ge [sflag:s13], $0x1000  }
0x97: {  	[sflag:s13] =	ssyncset.done $0x0  }
0x98: {  	[sflag:s13] =	ssyncadd.s32 $0xFFFFF000  }
0x99: {  	_ =	swait.ge [sflag:s13], $0x80  }
0x9a: {  	[sflag:s13] =	ssyncset.done $0x0  }
0x9b: {  	[sflag:s13] =	ssyncadd.s32 $0xFFFFFF80  }
0x9c: {  	_ =	swait.ge [sflag:s13], $0x80  }
0x9d: {  	[sflag:s13] =	ssyncset.done $0x0  }
0x9e: {  	[sflag:s13] =	ssyncadd.s32 $0xFFFFFF80  }
0x9f: {  	_ =	swait.ge [sflag:s13], $0x1000  }
0xa0: {  	[sflag:s13] =	ssyncset.done $0x0  }
0xa1: {  	[sflag:s13] =	ssyncadd.s32 $0xFFFFF000  }
0xa2: {  	_ =	swait.ge [sflag:s13], $0x80  }
0xa3: {  	[sflag:s13] =	ssyncset.done $0x0  }
0xa4: {  	[sflag:s13] =	ssyncadd.s32 $0xFFFFFF80  }
0xa5: {  	_ =	swait.ge [sflag:s13], $0x80  }
0xa6: {  	[sflag:s13] =	ssyncset.done $0x0  }
0xa7: {  	[sflag:s13] =	ssyncadd.s32 $0xFFFFFF80  }
0xa8: {  	[hbm4b:s6+s2] =	stream.linear.scatter [tilespmem:s9], [sflag:$0x2], $0x4000, $0x38;
	[tilespmem:$0x4800] =	vst v63  }
0xa9: {  	_ =	swait.ge [sflag:s3], $0x4000  }
0xaa: {  	[sflag:s3] =	ssyncset.done $0x0  }
0xab: {  	[sflag:s3] =	ssyncadd.s32 $0xFFFFC000  }
0xac: {  	[hbm4b:s5+s2] =	stream.linear.scatter [tilespmem:s8], [sflag:$0x2], $0x200, $0x38;
	[tilespmem:$0x4800] =	vst v63  }
0xad: {  	p1 =	sne.s32 s0, $0x1;
	_ =	swait.ge [sflag:s3], $0x200  }
.Ltmp2:
0xae: {  	[sflag:s3] =	ssyncset.done $0x0;
	(pc) =	sbr.rel @p1 .LBB2_2-.Ltmp2, $4  }
0xaf: {  	[sflag:s3] =	ssyncadd.s32 $0xFFFFFE00  }
0xb0: {  	[hbm4b:s4+s2] =	stream.linear.scatter [tilespmem:s7], [sflag:$0x2], $0x200, $0x38;
	[tilespmem:$0x4800] =	vst v63  }
0xb1: {  	_ =	swait.ge [sflag:s3], $0x200  }
0xb2: {  	s0 =	sadd.s32 $0xFFFFFFFF, s0;
	s1 =	rddreg [dreg:$0x5];
	[sflag:s3] =	ssyncset.done $0x0  }
.LBB2_3:
0xb3: {  	[sflag:s3] =	ssyncadd.s32 @p0 $0xFFFFFE00  }
0xb4: {  	[tilespmem:s2], [sflag:$0x2] =	stream.linear.gather [hbm4b:s1+s2], $0x200, $0x38;
	[tilespmem:$0x4800] =	vst v63  }
0xb5: {  	_ =	swait.ge [sflag:s3], $0x200  }
0xb6: {  	[sflag:s3] =	ssyncset.done $0x0  }
0xb7: {  	[sflag:s3] =	ssyncadd.s32 $0xFFFFFE00  }
0xb8: {  	[tilespmem:s16], [sflag:$0x2] =	stream.linear.gather [hbm4b:s15+s2], $0x200, $0x38;
	[tilespmem:$0x4800] =	vst v63  }
0xb9: {  	_ =	swait.ge [sflag:s3], $0x200  }
0xba: {  	[sflag:s3] =	ssyncset.done $0x0  }
0xbb: {  	[sflag:s3] =	ssyncadd.s32 $0xFFFFFE00  }
0xbc: {  	[tilespmem:s9], [sflag:$0x1] =	stream.indirect.gather [hbm4b:s10+s14], $0x20, s16, s14, $0xb8;
	[tilespmem:$0x4800] =	vst v63  }
0xbd: {  	_ = 	snop  }
0xbe: {  	[tilespmem:s8], [sflag:$0x1] =	stream.indirect.gather [hbm4b:s11+s14], $0x1, s2, s14, $0xb8;
	[tilespmem:$0x4800] =	vst v63  }
0xbf: {  	_ = 	snop  }
0xc0: {  	[tilespmem:s7], [sflag:$0x1] =	stream.indirect.gather [hbm4b:s12+s14], $0x1, s16, s14, $0xb8;
	[tilespmem:$0x4800] =	vst v63  }
0xc1: {  	_ = 	snop  }
0xc2: {  	[tilespmem:s19], [sflag:$0x1] =	stream.indirect.gather [hbm4b:s10+s14], $0x20, s17, s14, $0xb8;
	[tilespmem:$0x4800] =	vst v63  }
0xc3: {  	_ = 	snop  }
0xc4: {  	[tilespmem:s20], [sflag:$0x1] =	stream.indirect.gather [hbm4b:s11+s14], $0x1, s14, s14, $0xb8;
	[tilespmem:$0x4800] =	vst v63  }
0xc5: {  	_ = 	snop  }
0xc6: {  	[tilespmem:s21], [sflag:$0x1] =	stream.indirect.gather [hbm4b:s12+s14], $0x1, s17, s14, $0xb8;
	[tilespmem:$0x4800] =	vst v63  }
0xc7: {  	_ = 	snop  }
0xc8: {  	[tilespmem:s22], [sflag:$0x1] =	stream.indirect.gather [hbm4b:s10+s14], $0x20, s18, s14, $0xb8;
	[tilespmem:$0x4800] =	vst v63  }
0xc9: {  	_ = 	snop  }
0xca: {  	[tilespmem:s24], [sflag:$0x1] =	stream.indirect.gather [hbm4b:s11+s14], $0x1, s23, s14, $0xb8;
	[tilespmem:$0x4800] =	vst v63  }
0xcb: {  	_ = 	snop  }
0xcc: {  	[tilespmem:s25], [sflag:$0x1] =	stream.indirect.gather [hbm4b:s12+s14], $0x1, s18, s14, $0xb8;
	[tilespmem:$0x4800] =	vst v63  }
0xcd: {  	_ = 	snop  }
0xce: {  	[tilespmem:s28], [sflag:$0x1] =	stream.indirect.gather [hbm4b:s10+s14], $0x20, s26, s14, $0xb8;
	[tilespmem:$0x4800] =	vst v63  }
0xcf: {  	_ = 	snop  }
0xd0: {  	[tilespmem:s30], [sflag:$0x1] =	stream.indirect.gather [hbm4b:s11+s14], $0x1, s29, s14, $0xb8;
	[tilespmem:$0x4800] =	vst v63  }
0xd1: {  	_ = 	snop  }
0xd2: {  	[tilespmem:s31], [sflag:$0x1] =	stream.indirect.gather [hbm4b:s12+s14], $0x1, s26, s14, $0xb8;
	[tilespmem:$0x4800] =	vst v63  }
0xd3: {  	_ =	swait.ge [sflag:s13], $0x1000  }
0xd4: {  	[sflag:s13] =	ssyncset.done $0x0  }
0xd5: {  	[sflag:s13] =	ssyncadd.s32 $0xFFFFF000  }
0xd6: {  	_ =	swait.ge [sflag:s13], $0x80  }
0xd7: {  	[sflag:s13] =	ssyncset.done $0x0  }
0xd8: {  	[sflag:s13] =	ssyncadd.s32 $0xFFFFFF80  }
0xd9: {  	_ =	swait.ge [sflag:s13], $0x80  }
0xda: {  	[sflag:s13] =	ssyncset.done $0x0  }
0xdb: {  	[sflag:s13] =	ssyncadd.s32 $0xFFFFFF80  }
0xdc: {  	_ =	swait.ge [sflag:s13], $0x1000  }
0xdd: {  	[sflag:s13] =	ssyncset.done $0x0  }
0xde: {  	[sflag:s13] =	ssyncadd.s32 $0xFFFFF000  }
0xdf: {  	_ =	swait.ge [sflag:s13], $0x80  }
0xe0: {  	[sflag:s13] =	ssyncset.done $0x0  }
0xe1: {  	[sflag:s13] =	ssyncadd.s32 $0xFFFFFF80  }
0xe2: {  	_ =	swait.ge [sflag:s13], $0x80  }
0xe3: {  	[sflag:s13] =	ssyncset.done $0x0  }
0xe4: {  	[sflag:s13] =	ssyncadd.s32 $0xFFFFFF80  }
0xe5: {  	_ =	swait.ge [sflag:s13], $0x1000  }
0xe6: {  	[sflag:s13] =	ssyncset.done $0x0  }
0xe7: {  	[sflag:s13] =	ssyncadd.s32 $0xFFFFF000  }
0xe8: {  	_ =	swait.ge [sflag:s13], $0x80  }
0xe9: {  	[sflag:s13] =	ssyncset.done $0x0  }
0xea: {  	[sflag:s13] =	ssyncadd.s32 $0xFFFFFF80  }
0xeb: {  	_ =	swait.ge [sflag:s13], $0x80  }
0xec: {  	[sflag:s13] =	ssyncset.done $0x0  }
0xed: {  	[sflag:s13] =	ssyncadd.s32 $0xFFFFFF80  }
0xee: {  	_ =	swait.ge [sflag:s13], $0x1000  }
0xef: {  	[sflag:s13] =	ssyncset.done $0x0  }
0xf0: {  	[sflag:s13] =	ssyncadd.s32 $0xFFFFF000  }
0xf1: {  	_ =	swait.ge [sflag:s13], $0x80  }
0xf2: {  	[sflag:s13] =	ssyncset.done $0x0  }
0xf3: {  	[sflag:s13] =	ssyncadd.s32 $0xFFFFFF80  }
0xf4: {  	_ =	swait.ge [sflag:s13], $0x80  }
0xf5: {  	[sflag:s13] =	ssyncset.done $0x0  }
0xf6: {  	[sflag:s13] =	ssyncadd.s32 $0xFFFFFF80  }
0xf7: {  	[hbm4b:s6+s2] =	stream.linear.scatter [tilespmem:s9], [sflag:$0x2], $0x4000, $0x38;
	[tilespmem:$0x4800] =	vst v63  }
0xf8: {  	_ =	swait.ge [sflag:s3], $0x4000  }
0xf9: {  	[sflag:s3] =	ssyncset.done $0x0  }
0xfa: {  	[sflag:s3] =	ssyncadd.s32 $0xFFFFC000  }
0xfb: {  	[hbm4b:s5+s2] =	stream.linear.scatter [tilespmem:s8], [sflag:$0x2], $0x200, $0x38;
	[tilespmem:$0x4800] =	vst v63  }
0xfc: {  	_ =	swait.ge [sflag:s3], $0x200  }
0xfd: {  	[sflag:s3] =	ssyncset.done $0x0  }
0xfe: {  	[sflag:s3] =	ssyncadd.s32 $0xFFFFFE00  }
0xff: {  	[hbm4b:s4+s2] =	stream.linear.scatter [tilespmem:s7], [sflag:$0x2], $0x200, $0x38;
	[tilespmem:$0x4800] =	vst v63  }
0x100: {  	_ =	swait.ge [sflag:s3], $0x200  }
0x101: {  	[sflag:s3] =	ssyncset.done $0x0  }
0x102: {  	[sflag:s3] =	ssyncadd.s32 $0xFFFFFE00  }
0x103: {  	_ =	sfence.sel $0x180000  }
0x104: {  	[bflag:$0x0] =	sbarrier.arrive $0xFFFF  }
0x105: {  	_ =	strace $0x90000047  }
0x106: {  	s0 =	stileid.u32;
	[bflag:$0x2] =	sbarrier.arrive $0xFFFF  }
0x107: {  	p0 =	sne.s32 s0, $0x0;
	s0 =	rddreg [dreg:$0x4]  }
0x108: {  	s0 =	sadd.s32 @!p0 $0x100000, s0  }
0x109: {  	[sflag:s0] =	ssyncadd.tile.s32 @!p0 $0x1;
	_ =	shalt  }
.Lfunc_end2:
_tile_overlayer_lowered:
.L_overlay_start_2:
0x10a: {  	(tag) =	ssettag $0x2  }
0x10b: {  	s0 =	rddreg [dreg:$0x0];
	s2 =	stileid.u32  }
0x10c: {  	s1 =	rddreg [dreg:$0x1];
	p0 =	sne.s32 s2, $0x0  }
0x10d: {  	s3 =	rddreg [dreg:$0x2];
	[bflag:$0x3] =	sbarrier.arrive $0xFFFF;
	s2 =	simm.s32 @!p0 $0x1C02  }
0x10e: {  	[timem:s3], [sflag:s2] =	dma.local @!p0 [hbm:s0], s1  }
0x10f: {  	s0 =	simm.s32 @!p0 $0x2  }
0x110: {  	_ =	swait.ge @!p0 [sflag:s0], s1  }
0x111: {  	s1 =	ssub.s32 @!p0 $0x0, s1;
	[sflag:s0] =	ssyncset.done @!p0 $0x0  }
0x112: {  	[sflag:s0] =	ssyncadd.s32 @!p0 s1  }
0x113: {  	[bflag:$0x3] =	sbarrier.arrive $0xFFFF  }
0x114: {  	_ =	shalt  }

</sc_bundles>
